<compile_context>
chip_gen: v7x
topology: tpu7x:2x2x1
jax: 0.10.2.dev20260603
libtpu: 0.0.44.dev20260713+nightly
codegen_flags: <defaults>
</compile_context>

<pallas_src>
import functools

import jax
import jax.numpy as jnp
from jax import lax
from jax.experimental import pallas as pl
from jax.experimental.pallas import tpu as pltpu
from jax.experimental.pallas import tpu_sc as plsc

_LANES = 16
_QUART = 4096


def _sc_gather_t(t2, idx_flat, nf, vocab, emb_d, bsz):
    info = plsc.get_sparse_core_info()
    nc, ns = info.num_cores, info.num_subcores
    nw = nc * ns
    assert emb_d == nw
    nq = bsz // _QUART
    assert nq >= 2 and bsz % _QUART == 0
    mesh = plsc.VectorSubcoreMesh(core_axis_name="c", subcore_axis_name="s")

    nrow = _QUART // 128

    @functools.partial(
        pl.kernel,
        out_type=jax.ShapeDtypeStruct((bsz // 128, nf * emb_d, 128),
                                      jnp.float32),
        mesh=mesh,
        compiler_params=pltpu.CompilerParams(
            use_tc_tiling_on_sc=True, needs_layout_passes=False),
        scratch_types=[
            pltpu.VMEM((vocab,), jnp.float32),
            pltpu.VMEM((bsz,), jnp.int32),
            pltpu.VMEM((nrow, 128), jnp.float32),
            pltpu.VMEM((nrow, 128), jnp.float32),
            pltpu.SemaphoreType.DMA,
            pltpu.SemaphoreType.DMA,
            pltpu.SemaphoreType.DMA,
            pltpu.SemaphoreType.DMA,
        ],
    )
    def gather_kernel(t2_hbm, idx_hbm, out_hbm, row_v, idx_v, ob0, ob1,
                      rsem, isem, osem0, osem1):
        t = lax.axis_index("s") * nc + lax.axis_index("c")
        obs = (ob0, ob1)
        osems = (osem0, osem1)

        def field_body(i, carry):
            p = i * emb_d + t
            cp_i = pltpu.async_copy(
                idx_hbm.at[pl.ds(i * bsz, bsz)], idx_v, isem)
            cp_r = pltpu.async_copy(t2_hbm.at[p], row_v, rsem)
            cp_i.wait()
            cp_r.wait()
            for q in range(nq):
                ob, osem = obs[q % 2], osems[q % 2]
                dst = out_hbm.at[pl.ds(q * nrow, nrow), p]

                @pl.when((i > 0) | (q >= 2))
                def _():
                    pltpu.make_async_copy(ob, dst, osem).wait()

                def inner(j, c):
                    b0 = q * _QUART + j * 128
                    idxs = [idx_v[pl.ds(b0 + k * _LANES, _LANES)]
                            for k in range(8)]
                    vals = [plsc.load_gather(row_v, [ix]) for ix in idxs]
                    for k in range(8):
                        ob[j, pl.ds(k * _LANES, _LANES)] = vals[k]
                    return c

                lax.fori_loop(0, nrow, inner, 0, unroll=2)
                pltpu.async_copy(ob, dst, osem)
            return carry

        lax.fori_loop(0, nf, field_body, 0)
        p_last = (nf - 1) * emb_d + t
        for b in range(2):
            q = nq - 2 + b
            pltpu.make_async_copy(
                obs[q % 2],
                out_hbm.at[pl.ds(q * nrow, nrow), p_last],
                osems[q % 2]).wait()

    return gather_kernel(t2, idx_flat)


_CPS = 4


def _mlp_t(emb3, xt, w1et, w1xt, b1c, w2t, b2c, w3t, b3c):
    n_chunks = emb3.shape[0]
    d_emb = emb3.shape[1]

    def body(emb_ref, xt_ref, w1et_ref, w1xt_ref, b1_ref, w2t_ref, b2_ref,
             w3t_ref, b3_ref, out_ref):
        for k in range(_CPS):
            e = emb_ref[k].astype(jnp.bfloat16)
            h = jnp.dot(w1et_ref[...], e, preferred_element_type=jnp.float32)
            h = h + jnp.dot(w1xt_ref[...], xt_ref[k],
                            preferred_element_type=jnp.float32)
            h = jnp.maximum(h + b1_ref[...], 0.0)
            h = jnp.maximum(
                jnp.dot(w2t_ref[...], h, preferred_element_type=jnp.float32)
                + b2_ref[...], 0.0)
            out_ref[:, k] = (
                jnp.dot(w3t_ref[...], h, preferred_element_type=jnp.float32)
                + b3_ref[...]).reshape(1, 128)

    return pl.pallas_call(
        body,
        grid=(n_chunks // _CPS,),
        in_specs=[
            pl.BlockSpec((_CPS, d_emb, 128), lambda i: (i, 0, 0)),
            pl.BlockSpec((_CPS, xt.shape[1], 128), lambda i: (i, 0, 0)),
            pl.BlockSpec(w1et.shape, lambda i: (0, 0)),
            pl.BlockSpec(w1xt.shape, lambda i: (0, 0)),
            pl.BlockSpec(b1c.shape, lambda i: (0, 0)),
            pl.BlockSpec(w2t.shape, lambda i: (0, 0)),
            pl.BlockSpec(b2c.shape, lambda i: (0, 0)),
            pl.BlockSpec(w3t.shape, lambda i: (0, 0)),
            pl.BlockSpec(b3c.shape, lambda i: (0, 0)),
        ],
        out_specs=pl.BlockSpec((1, _CPS, 128), lambda i: (i, 0, 0)),
        out_shape=jax.ShapeDtypeStruct((n_chunks // _CPS, _CPS, 128),
                                       jnp.float32),
    )(emb3, xt, w1et, w1xt, b1c, w2t, b2c, w3t, b3c)


def kernel(x, x_classes, tables, W1, b1, W2, b2, W3, b3):
    bsz = x.shape[0]
    nf, vocab, emb_d = tables.shape
    d_emb = nf * emb_d
    t2 = tables.transpose(0, 2, 1).reshape(d_emb, vocab)
    idx_flat = x_classes.T.reshape(-1)
    emb3 = _sc_gather_t(t2, idx_flat, nf, vocab, emb_d, bsz)
    xt = x.T.reshape(x.shape[1], bsz // 128, 128).transpose(1, 0, 2)
    w1et = W1[:d_emb].T.astype(jnp.bfloat16)
    w1xt = W1[d_emb:].T
    outt = _mlp_t(emb3, xt, w1et, w1xt, b1.reshape(-1, 1),
                  W2.T, b2.reshape(-1, 1), W3.T, b3.reshape(1, 1))
    return outt.reshape(bsz, 1)

# --- scband reference (transcript-rebuilt; emitter-appended) ---
"""Pipeline reference for scband-emb-and-ensemble-26431228739848 (READ-ONLY COPY).

The authoritative reference and input builder live on the scoring server;
editing this copy changes nothing except your own understanding.
"""

import jax, jax.numpy as jnp
import numpy as np

N_FIELDS = 26
VOCAB = 100000
EMB = 32
B = 16384
DENSE = 13
H1, H2 = 512, 256

def setup_inputs(seed: int = 0) -> dict:
    key = jax.random.key(seed)
    ks = jax.random.split(key, 10)
    x = jax.random.normal(ks[0], (B, DENSE), dtype=jnp.float32)
    x_classes = jax.random.randint(ks[1], (B, N_FIELDS), 0, VOCAB, dtype=jnp.int32)
    tables = jax.random.normal(ks[2], (N_FIELDS, VOCAB, EMB), dtype=jnp.float32) * 0.01
    d_cat = N_FIELDS * EMB + DENSE
    W1 = jax.random.normal(ks[3], (d_cat, H1), dtype=jnp.float32) * (1.0 / np.sqrt(d_cat))
    b1 = jnp.zeros((H1,), dtype=jnp.float32)
    W2 = jax.random.normal(ks[4], (H1, H2), dtype=jnp.float32) * (1.0 / np.sqrt(H1))
    b2 = jnp.zeros((H2,), dtype=jnp.float32)
    W3 = jax.random.normal(ks[5], (H2, 1), dtype=jnp.float32) * (1.0 / np.sqrt(H2))
    b3 = jnp.zeros((1,), dtype=jnp.float32)
    return {"x": x, "x_classes": x_classes, "tables": tables,
            "W1": W1, "b1": b1, "W2": W2, "b2": b2, "W3": W3, "b3": b3}

def reference(x, x_classes, tables, W1, b1, W2, b2, W3, b3):
    # per-field embedding lookups (torch: emb(x_classes[:, i]) for each field)
    x_enc = [jnp.take(tables[i], x_classes[:, i], axis=0) for i in range(N_FIELDS)]
    x_enc.append(x)
    x_cat = jnp.concatenate(x_enc, axis=1)
    # ensemble: 3-layer MLP
    h = jax.nn.relu(jnp.dot(x_cat, W1) + b1)
    h = jax.nn.relu(jnp.dot(h, W2) + b2)
    out = jnp.dot(h, W3) + b3
    return out

if __name__ == "__main__":
    import jax
    _d = setup_inputs()
    print(jax.jit(kernel)(*tuple(_d.values())))

</pallas_src>

<mosaic_0001>
#map = affine_map<(d0, d1) -> (0, 0)>
#map1 = affine_map<(d0, d1) -> (0)>
#map2 = affine_map<(d0, d1) -> (0, 0, 0)>
module attributes {stable_mosaic.version = 14 : i64} {
  func.func @gather_kernel(%arg0: i32, %arg1: i32, %arg2: memref<832x100000xf32, #tpu.memory_space<hbm>>, %arg3: memref<425984xi32, #tpu.memory_space<hbm>>, %arg4: memref<128x832x128xf32, #tpu.memory_space<hbm>>, %arg5: memref<100000xf32, #tpu.memory_space<vmem>>, %arg6: memref<16384xi32, #tpu.memory_space<vmem>>, %arg7: memref<32x128xf32, #tpu.memory_space<vmem>>, %arg8: memref<32x128xf32, #tpu.memory_space<vmem>>, %arg9: memref<!tpu.dma_semaphore, #tpu.memory_space<semaphore_mem>>, %arg10: memref<!tpu.dma_semaphore, #tpu.memory_space<semaphore_mem>>, %arg11: memref<!tpu.dma_semaphore, #tpu.memory_space<semaphore_mem>>, %arg12: memref<!tpu.dma_semaphore, #tpu.memory_space<semaphore_mem>>) attributes {dimension_semantics = [#tpu.dimension_semantics<core_parallel>, #tpu.dimension_semantics<subcore_parallel>], iteration_bounds = array<i64: 2, 16>, scalar_prefetch = 0 : i64, scratch_operands = 8 : i64, tpu.core_type = #tpu.core_type<sc_vector_subcore>, window_params = [{transform_indices = #map}, {transform_indices = #map1}, {transform_indices = #map2}]} {
    %mul3A = arith.constant 2 : i32
    %mul3A_0 = arith.muli %arg1, %mul3A : i32
    %add3A = arith.addi %mul3A_0, %arg0 : i32
    %scan3A = arith.constant 0 : i32
    %scan3A_1 = arith.constant 0 : i32
    %scan3A_2 = arith.constant 26 : i32
    %scan3A_3 = arith.addi %scan3A_1, %scan3A_2 : i32
    %scan3A_4 = arith.constant 1 : i32
    scf.for %scan3A_23 = %scan3A_1 to %scan3A_3 step %scan3A_4  : i32 {
      %mul3A_24 = arith.constant 32 : i32
      %mul3A_25 = arith.muli %scan3A_23, %mul3A_24 : i32
      %add3A_26 = arith.addi %mul3A_25, %add3A : i32
      %mul3A_27 = arith.constant 16384 : i32
      %mul3A_28 = arith.muli %scan3A_23, %mul3A_27 : i32
      %dma_start3A = tpu.memref_slice %arg3[%mul3A_28] : memref<425984xi32, #tpu.memory_space<hbm>> -> memref<16384xi32, #tpu.memory_space<hbm>>
      %dma_start3A_29 = tpu.memref_slice %arg3[%mul3A_28] : memref<425984xi32, #tpu.memory_space<hbm>> -> memref<16384xi32, #tpu.memory_space<hbm>>
      tpu.enqueue_dma source(%dma_start3A_29 : memref<16384xi32, #tpu.memory_space<hbm>>) target(%arg6 : memref<16384xi32, #tpu.memory_space<vmem>>) target_semaphore(%arg10 : memref<!tpu.dma_semaphore, #tpu.memory_space<semaphore_mem>>)
      %dma_start3A_30 = arith.constant 0 : i32
      %dma_start3A_31 = tpu.memref_slice %arg2[%add3A_26, %dma_start3A_30] : memref<832x100000xf32, #tpu.memory_space<hbm>> -> memref<1x100000xf32, #tpu.memory_space<hbm>>
      %dma_start3A_32 = tpu.memref_squeeze %dma_start3A_31 : memref<1x100000xf32, #tpu.memory_space<hbm>> -> memref<100000xf32, #tpu.memory_space<hbm>>
      %dma_start3A_33 = arith.constant 0 : i32
      %dma_start3A_34 = tpu.memref_slice %arg2[%add3A_26, %dma_start3A_33] : memref<832x100000xf32, #tpu.memory_space<hbm>> -> memref<1x100000xf32, #tpu.memory_space<hbm>>
      %dma_start3A_35 = tpu.memref_squeeze %dma_start3A_34 : memref<1x100000xf32, #tpu.memory_space<hbm>> -> memref<100000xf32, #tpu.memory_space<hbm>>
      tpu.enqueue_dma source(%dma_start3A_35 : memref<100000xf32, #tpu.memory_space<hbm>>) target(%arg5 : memref<100000xf32, #tpu.memory_space<vmem>>) target_semaphore(%arg9 : memref<!tpu.dma_semaphore, #tpu.memory_space<semaphore_mem>>)
      %dma_wait3A_36 = tpu.memref_slice %arg3[%mul3A_28] : memref<425984xi32, #tpu.memory_space<hbm>> -> memref<16384xi32, #tpu.memory_space<hbm>>
      %dma_wait3A_37 = tpu.memref_slice %arg3[%mul3A_28] : memref<425984xi32, #tpu.memory_space<hbm>> -> memref<16384xi32, #tpu.memory_space<hbm>>
      tpu.wait_dma2 semaphore(%arg10 : memref<!tpu.dma_semaphore, #tpu.memory_space<semaphore_mem>>) src(%dma_wait3A_37 : memref<16384xi32, #tpu.memory_space<hbm>>) dst(%arg6 : memref<16384xi32, #tpu.memory_space<vmem>>)
      %dma_wait3A_38 = arith.constant 0 : i32
      %dma_wait3A_39 = tpu.memref_slice %arg2[%add3A_26, %dma_wait3A_38] : memref<832x100000xf32, #tpu.memory_space<hbm>> -> memref<1x100000xf32, #tpu.memory_space<hbm>>
      %dma_wait3A_40 = tpu.memref_squeeze %dma_wait3A_39 : memref<1x100000xf32, #tpu.memory_space<hbm>> -> memref<100000xf32, #tpu.memory_space<hbm>>
      %dma_wait3A_41 = arith.constant 0 : i32
      %dma_wait3A_42 = tpu.memref_slice %arg2[%add3A_26, %dma_wait3A_41] : memref<832x100000xf32, #tpu.memory_space<hbm>> -> memref<1x100000xf32, #tpu.memory_space<hbm>>
      %dma_wait3A_43 = tpu.memref_squeeze %dma_wait3A_42 : memref<1x100000xf32, #tpu.memory_space<hbm>> -> memref<100000xf32, #tpu.memory_space<hbm>>
      tpu.wait_dma2 semaphore(%arg9 : memref<!tpu.dma_semaphore, #tpu.memory_space<semaphore_mem>>) src(%dma_wait3A_43 : memref<100000xf32, #tpu.memory_space<hbm>>) dst(%arg5 : memref<100000xf32, #tpu.memory_space<vmem>>)
      %gt3A = arith.constant 0 : i32
      %gt3A_44 = arith.cmpi sgt, %scan3A_23, %gt3A : i32
      %or3A = arith.constant false
      %or3A_45 = arith.ori %gt3A_44, %or3A : i1
      %convert_element_type3A = arith.extui %or3A_45 : i1 to i32
      %cond3A = arith.constant 0 : i32
      %cond3A_46 = arith.cmpi ne, %convert_element_type3A, %cond3A : i32
      scf.if %cond3A_46 {
        %dma_wait3A_124 = arith.constant 0 : i32
        %dma_wait3A_125 = arith.constant 0 : i32
        %dma_wait3A_126 = tpu.memref_slice %arg4[%dma_wait3A_124, %add3A_26, %dma_wait3A_125] : memref<128x832x128xf32, #tpu.memory_space<hbm>> -> memref<32x1x128xf32, #tpu.memory_space<hbm>>
        %dma_wait3A_127 = tpu.memref_squeeze %dma_wait3A_126 : memref<32x1x128xf32, #tpu.memory_space<hbm>> -> memref<32x128xf32, #tpu.memory_space<hbm>>
        %dma_wait3A_128 = arith.constant 0 : i32
        %dma_wait3A_129 = arith.constant 0 : i32
        %dma_wait3A_130 = tpu.memref_slice %arg4[%dma_wait3A_128, %add3A_26, %dma_wait3A_129] : memref<128x832x128xf32, #tpu.memory_space<hbm>> -> memref<32x1x128xf32, #tpu.memory_space<hbm>>
        %dma_wait3A_131 = tpu.memref_squeeze %dma_wait3A_130 : memref<32x1x128xf32, #tpu.memory_space<hbm>> -> memref<32x128xf32, #tpu.memory_space<hbm>>
        tpu.wait_dma2 semaphore(%arg11 : memref<!tpu.dma_semaphore, #tpu.memory_space<semaphore_mem>>) src(%arg7 : memref<32x128xf32, #tpu.memory_space<vmem>>) dst(%dma_wait3A_131 : memref<32x128xf32, #tpu.memory_space<hbm>>)
      } else {
      }
      %scan3A_47 = arith.constant 0 : i32
      %scan3A_48 = arith.constant 0 : i32
      %scan3A_49 = arith.constant 32 : i32
      %scan3A_50 = arith.addi %scan3A_48, %scan3A_49 : i32
      %scan3A_51 = arith.constant 2 : i32
      scf.for %scan3A_124 = %scan3A_48 to %scan3A_50 step %scan3A_51  : i32 {
        %mul3A_125 = arith.constant 128 : i32
        %mul3A_126 = arith.muli %scan3A_124, %mul3A_125 : i32
        %add3A_127 = arith.constant 0 : i32
        %add3A_128 = arith.addi %add3A_127, %mul3A_126 : i32
        %add3A_129 = arith.constant 0 : i32
        %add3A_130 = arith.addi %add3A_128, %add3A_129 : i32
        %get3A = arith.index_cast %add3A_130 : i32 to index
        %get3A_131 = tpu.vector_load %arg6[%get3A] {strides = array<i32>} : memref<16384xi32, #tpu.memory_space<vmem>>, vector<16xi32>,
        %add3A_132 = arith.constant 16 : i32
        %add3A_133 = arith.addi %add3A_128, %add3A_132 : i32
        %get3A_134 = arith.index_cast %add3A_133 : i32 to index
        %get3A_135 = tpu.vector_load %arg6[%get3A_134] {strides = array<i32>} : memref<16384xi32, #tpu.memory_space<vmem>>, vector<16xi32>,
        %add3A_136 = arith.constant 32 : i32
        %add3A_137 = arith.addi %add3A_128, %add3A_136 : i32
        %get3A_138 = arith.index_cast %add3A_137 : i32 to index
        %get3A_139 = tpu.vector_load %arg6[%get3A_138] {strides = array<i32>} : memref<16384xi32, #tpu.memory_space<vmem>>, vector<16xi32>,
        %add3A_140 = arith.constant 48 : i32
        %add3A_141 = arith.addi %add3A_128, %add3A_140 : i32
        %get3A_142 = arith.index_cast %add3A_141 : i32 to index
        %get3A_143 = tpu.vector_load %arg6[%get3A_142] {strides = array<i32>} : memref<16384xi32, #tpu.memory_space<vmem>>, vector<16xi32>,
        %add3A_144 = arith.constant 64 : i32
        %add3A_145 = arith.addi %add3A_128, %add3A_144 : i32
        %get3A_146 = arith.index_cast %add3A_145 : i32 to index
        %get3A_147 = tpu.vector_load %arg6[%get3A_146] {strides = array<i32>} : memref<16384xi32, #tpu.memory_space<vmem>>, vector<16xi32>,
        %add3A_148 = arith.constant 80 : i32
        %add3A_149 = arith.addi %add3A_128, %add3A_148 : i32
        %get3A_150 = arith.index_cast %add3A_149 : i32 to index
        %get3A_151 = tpu.vector_load %arg6[%get3A_150] {strides = array<i32>} : memref<16384xi32, #tpu.memory_space<vmem>>, vector<16xi32>,
        %add3A_152 = arith.constant 96 : i32
        %add3A_153 = arith.addi %add3A_128, %add3A_152 : i32
        %get3A_154 = arith.index_cast %add3A_153 : i32 to index
        %get3A_155 = tpu.vector_load %arg6[%get3A_154] {strides = array<i32>} : memref<16384xi32, #tpu.memory_space<vmem>>, vector<16xi32>,
        %add3A_156 = arith.constant 112 : i32
        %add3A_157 = arith.addi %add3A_128, %add3A_156 : i32
        %get3A_158 = arith.index_cast %add3A_157 : i32 to index
        %get3A_159 = tpu.vector_load %arg6[%get3A_158] {strides = array<i32>} : memref<16384xi32, #tpu.memory_space<vmem>>, vector<16xi32>,
        %gather3A = tpu.vector_load_idx %arg5[%get3A_131] : memref<100000xf32, #tpu.memory_space<vmem>>[vector<16xi32>], vector<16xf32>,
        %gather3A_160 = tpu.vector_load_idx %arg5[%get3A_135] : memref<100000xf32, #tpu.memory_space<vmem>>[vector<16xi32>], vector<16xf32>,
        %gather3A_161 = tpu.vector_load_idx %arg5[%get3A_139] : memref<100000xf32, #tpu.memory_space<vmem>>[vector<16xi32>], vector<16xf32>,
        %gather3A_162 = tpu.vector_load_idx %arg5[%get3A_143] : memref<100000xf32, #tpu.memory_space<vmem>>[vector<16xi32>], vector<16xf32>,
        %gather3A_163 = tpu.vector_load_idx %arg5[%get3A_147] : memref<100000xf32, #tpu.memory_space<vmem>>[vector<16xi32>], vector<16xf32>,
        %gather3A_164 = tpu.vector_load_idx %arg5[%get3A_151] : memref<100000xf32, #tpu.memory_space<vmem>>[vector<16xi32>], vector<16xf32>,
        %gather3A_165 = tpu.vector_load_idx %arg5[%get3A_155] : memref<100000xf32, #tpu.memory_space<vmem>>[vector<16xi32>], vector<16xf32>,
        %gather3A_166 = tpu.vector_load_idx %arg5[%get3A_159] : memref<100000xf32, #tpu.memory_space<vmem>>[vector<16xi32>], vector<16xf32>,
        %swap3A = arith.index_cast %scan3A_124 : i32 to index
        %swap3A_167 = arith.constant 0 : index
        %swap3A_168 = tpu.vector_load %arg7[%swap3A, %swap3A_167] {strides = array<i32>} : memref<32x128xf32, #tpu.memory_space<vmem>>, vector<16xf32>,
        tpu.vector_store %arg7[%swap3A, %swap3A_167], %gather3A {strides = array<i32>} : memref<32x128xf32, #tpu.memory_space<vmem>>, vector<16xf32>,
        %swap3A_169 = arith.index_cast %scan3A_124 : i32 to index
        %swap3A_170 = arith.constant 16 : index
        %swap3A_171 = tpu.vector_load %arg7[%swap3A_169, %swap3A_170] {strides = array<i32>} : memref<32x128xf32, #tpu.memory_space<vmem>>, vector<16xf32>,
        tpu.vector_store %arg7[%swap3A_169, %swap3A_170], %gather3A_160 {strides = array<i32>} : memref<32x128xf32, #tpu.memory_space<vmem>>, vector<16xf32>,
        %swap3A_172 = arith.index_cast %scan3A_124 : i32 to index
        %swap3A_173 = arith.constant 32 : index
        %swap3A_174 = tpu.vector_load %arg7[%swap3A_172, %swap3A_173] {strides = array<i32>} : memref<32x128xf32, #tpu.memory_space<vmem>>, vector<16xf32>,
        tpu.vector_store %arg7[%swap3A_172, %swap3A_173], %gather3A_161 {strides = array<i32>} : memref<32x128xf32, #tpu.memory_space<vmem>>, vector<16xf32>,
        %swap3A_175 = arith.index_cast %scan3A_124 : i32 to index
        %swap3A_176 = arith.constant 48 : index
        %swap3A_177 = tpu.vector_load %arg7[%swap3A_175, %swap3A_176] {strides = array<i32>} : memref<32x128xf32, #tpu.memory_space<vmem>>, vector<16xf32>,
        tpu.vector_store %arg7[%swap3A_175, %swap3A_176], %gather3A_162 {strides = array<i32>} : memref<32x128xf32, #tpu.memory_space<vmem>>, vector<16xf32>,
        %swap3A_178 = arith.index_cast %scan3A_124 : i32 to index
        %swap3A_179 = arith.constant 64 : index
        %swap3A_180 = tpu.vector_load %arg7[%swap3A_178, %swap3A_179] {strides = array<i32>} : memref<32x128xf32, #tpu.memory_space<vmem>>, vector<16xf32>,
        tpu.vector_store %arg7[%swap3A_178, %swap3A_179], %gather3A_163 {strides = array<i32>} : memref<32x128xf32, #tpu.memory_space<vmem>>, vector<16xf32>,
        %swap3A_181 = arith.index_cast %scan3A_124 : i32 to index
        %swap3A_182 = arith.constant 80 : index
        %swap3A_183 = tpu.vector_load %arg7[%swap3A_181, %swap3A_182] {strides = array<i32>} : memref<32x128xf32, #tpu.memory_space<vmem>>, vector<16xf32>,
        tpu.vector_store %arg7[%swap3A_181, %swap3A_182], %gather3A_164 {strides = array<i32>} : memref<32x128xf32, #tpu.memory_space<vmem>>, vector<16xf32>,
        %swap3A_184 = arith.index_cast %scan3A_124 : i32 to index
        %swap3A_185 = arith.constant 96 : index
        %swap3A_186 = tpu.vector_load %arg7[%swap3A_184, %swap3A_185] {strides = array<i32>} : memref<32x128xf32, #tpu.memory_space<vmem>>, vector<16xf32>,
        tpu.vector_store %arg7[%swap3A_184, %swap3A_185], %gather3A_165 {strides = array<i32>} : memref<32x128xf32, #tpu.memory_space<vmem>>, vector<16xf32>,
        %swap3A_187 = arith.index_cast %scan3A_124 : i32 to index
        %swap3A_188 = arith.constant 112 : index
        %swap3A_189 = tpu.vector_load %arg7[%swap3A_187, %swap3A_188] {strides = array<i32>} : memref<32x128xf32, #tpu.memory_space<vmem>>, vector<16xf32>,
        tpu.vector_store %arg7[%swap3A_187, %swap3A_188], %gather3A_166 {strides = array<i32>} : memref<32x128xf32, #tpu.memory_space<vmem>>, vector<16xf32>,
        %scan3A_190 = arith.constant 1 : i32
        %scan3A_191 = arith.addi %scan3A_124, %scan3A_190 : i32
        %mul3A_192 = arith.constant 128 : i32
        %mul3A_193 = arith.muli %scan3A_191, %mul3A_192 : i32
        %add3A_194 = arith.constant 0 : i32
        %add3A_195 = arith.addi %add3A_194, %mul3A_193 : i32
        %add3A_196 = arith.constant 0 : i32
        %add3A_197 = arith.addi %add3A_195, %add3A_196 : i32
        %get3A_198 = arith.index_cast %add3A_197 : i32 to index
        %get3A_199 = tpu.vector_load %arg6[%get3A_198] {strides = array<i32>} : memref<16384xi32, #tpu.memory_space<vmem>>, vector<16xi32>,
        %add3A_200 = arith.constant 16 : i32
        %add3A_201 = arith.addi %add3A_195, %add3A_200 : i32
        %get3A_202 = arith.index_cast %add3A_201 : i32 to index
        %get3A_203 = tpu.vector_load %arg6[%get3A_202] {strides = array<i32>} : memref<16384xi32, #tpu.memory_space<vmem>>, vector<16xi32>,
        %add3A_204 = arith.constant 32 : i32
        %add3A_205 = arith.addi %add3A_195, %add3A_204 : i32
        %get3A_206 = arith.index_cast %add3A_205 : i32 to index
        %get3A_207 = tpu.vector_load %arg6[%get3A_206] {strides = array<i32>} : memref<16384xi32, #tpu.memory_space<vmem>>, vector<16xi32>,
        %add3A_208 = arith.constant 48 : i32
        %add3A_209 = arith.addi %add3A_195, %add3A_208 : i32
        %get3A_210 = arith.index_cast %add3A_209 : i32 to index
        %get3A_211 = tpu.vector_load %arg6[%get3A_210] {strides = array<i32>} : memref<16384xi32, #tpu.memory_space<vmem>>, vector<16xi32>,
        %add3A_212 = arith.constant 64 : i32
        %add3A_213 = arith.addi %add3A_195, %add3A_212 : i32
        %get3A_214 = arith.index_cast %add3A_213 : i32 to index
        %get3A_215 = tpu.vector_load %arg6[%get3A_214] {strides = array<i32>} : memref<16384xi32, #tpu.memory_space<vmem>>, vector<16xi32>,
        %add3A_216 = arith.constant 80 : i32
        %add3A_217 = arith.addi %add3A_195, %add3A_216 : i32
        %get3A_218 = arith.index_cast %add3A_217 : i32 to index
        %get3A_219 = tpu.vector_load %arg6[%get3A_218] {strides = array<i32>} : memref<16384xi32, #tpu.memory_space<vmem>>, vector<16xi32>,
        %add3A_220 = arith.constant 96 : i32
        %add3A_221 = arith.addi %add3A_195, %add3A_220 : i32
        %get3A_222 = arith.index_cast %add3A_221 : i32 to index
        %get3A_223 = tpu.vector_load %arg6[%get3A_222] {strides = array<i32>} : memref<16384xi32, #tpu.memory_space<vmem>>, vector<16xi32>,
        %add3A_224 = arith.constant 112 : i32
        %add3A_225 = arith.addi %add3A_195, %add3A_224 : i32
        %get3A_226 = arith.index_cast %add3A_225 : i32 to index
        %get3A_227 = tpu.vector_load %arg6[%get3A_226] {strides = array<i32>} : memref<16384xi32, #tpu.memory_space<vmem>>, vector<16xi32>,
        %gather3A_228 = tpu.vector_load_idx %arg5[%get3A_199] : memref<100000xf32, #tpu.memory_space<vmem>>[vector<16xi32>], vector<16xf32>,
        %gather3A_229 = tpu.vector_load_idx %arg5[%get3A_203] : memref<100000xf32, #tpu.memory_space<vmem>>[vector<16xi32>], vector<16xf32>,
        %gather3A_230 = tpu.vector_load_idx %arg5[%get3A_207] : memref<100000xf32, #tpu.memory_space<vmem>>[vector<16xi32>], vector<16xf32>,
        %gather3A_231 = tpu.vector_load_idx %arg5[%get3A_211] : memref<100000xf32, #tpu.memory_space<vmem>>[vector<16xi32>], vector<16xf32>,
        %gather3A_232 = tpu.vector_load_idx %arg5[%get3A_215] : memref<100000xf32, #tpu.memory_space<vmem>>[vector<16xi32>], vector<16xf32>,
        %gather3A_233 = tpu.vector_load_idx %arg5[%get3A_219] : memref<100000xf32, #tpu.memory_space<vmem>>[vector<16xi32>], vector<16xf32>,
        %gather3A_234 = tpu.vector_load_idx %arg5[%get3A_223] : memref<100000xf32, #tpu.memory_space<vmem>>[vector<16xi32>], vector<16xf32>,
        %gather3A_235 = tpu.vector_load_idx %arg5[%get3A_227] : memref<100000xf32, #tpu.memory_space<vmem>>[vector<16xi32>], vector<16xf32>,
        %swap3A_236 = arith.index_cast %scan3A_191 : i32 to index
        %swap3A_237 = arith.constant 0 : index
        %swap3A_238 = tpu.vector_load %arg7[%swap3A_236, %swap3A_237] {strides = array<i32>} : memref<32x128xf32, #tpu.memory_space<vmem>>, vector<16xf32>,
        tpu.vector_store %arg7[%swap3A_236, %swap3A_237], %gather3A_228 {strides = array<i32>} : memref<32x128xf32, #tpu.memory_space<vmem>>, vector<16xf32>,
        %swap3A_239 = arith.index_cast %scan3A_191 : i32 to index
        %swap3A_240 = arith.constant 16 : index
        %swap3A_241 = tpu.vector_load %arg7[%swap3A_239, %swap3A_240] {strides = array<i32>} : memref<32x128xf32, #tpu.memory_space<vmem>>, vector<16xf32>,
        tpu.vector_store %arg7[%swap3A_239, %swap3A_240], %gather3A_229 {strides = array<i32>} : memref<32x128xf32, #tpu.memory_space<vmem>>, vector<16xf32>,
        %swap3A_242 = arith.index_cast %scan3A_191 : i32 to index
        %swap3A_243 = arith.constant 32 : index
        %swap3A_244 = tpu.vector_load %arg7[%swap3A_242, %swap3A_243] {strides = array<i32>} : memref<32x128xf32, #tpu.memory_space<vmem>>, vector<16xf32>,
        tpu.vector_store %arg7[%swap3A_242, %swap3A_243], %gather3A_230 {strides = array<i32>} : memref<32x128xf32, #tpu.memory_space<vmem>>, vector<16xf32>,
        %swap3A_245 = arith.index_cast %scan3A_191 : i32 to index
        %swap3A_246 = arith.constant 48 : index
        %swap3A_247 = tpu.vector_load %arg7[%swap3A_245, %swap3A_246] {strides = array<i32>} : memref<32x128xf32, #tpu.memory_space<vmem>>, vector<16xf32>,
        tpu.vector_store %arg7[%swap3A_245, %swap3A_246], %gather3A_231 {strides = array<i32>} : memref<32x128xf32, #tpu.memory_space<vmem>>, vector<16xf32>,
        %swap3A_248 = arith.index_cast %scan3A_191 : i32 to index
        %swap3A_249 = arith.constant 64 : index
        %swap3A_250 = tpu.vector_load %arg7[%swap3A_248, %swap3A_249] {strides = array<i32>} : memref<32x128xf32, #tpu.memory_space<vmem>>, vector<16xf32>,
        tpu.vector_store %arg7[%swap3A_248, %swap3A_249], %gather3A_232 {strides = array<i32>} : memref<32x128xf32, #tpu.memory_space<vmem>>, vector<16xf32>,
        %swap3A_251 = arith.index_cast %scan3A_191 : i32 to index
        %swap3A_252 = arith.constant 80 : index
        %swap3A_253 = tpu.vector_load %arg7[%swap3A_251, %swap3A_252] {strides = array<i32>} : memref<32x128xf32, #tpu.memory_space<vmem>>, vector<16xf32>,
        tpu.vector_store %arg7[%swap3A_251, %swap3A_252], %gather3A_233 {strides = array<i32>} : memref<32x128xf32, #tpu.memory_space<vmem>>, vector<16xf32>,
        %swap3A_254 = arith.index_cast %scan3A_191 : i32 to index
        %swap3A_255 = arith.constant 96 : index
        %swap3A_256 = tpu.vector_load %arg7[%swap3A_254, %swap3A_255] {strides = array<i32>} : memref<32x128xf32, #tpu.memory_space<vmem>>, vector<16xf32>,
        tpu.vector_store %arg7[%swap3A_254, %swap3A_255], %gather3A_234 {strides = array<i32>} : memref<32x128xf32, #tpu.memory_space<vmem>>, vector<16xf32>,
        %swap3A_257 = arith.index_cast %scan3A_191 : i32 to index
        %swap3A_258 = arith.constant 112 : index
        %swap3A_259 = tpu.vector_load %arg7[%swap3A_257, %swap3A_258] {strides = array<i32>} : memref<32x128xf32, #tpu.memory_space<vmem>>, vector<16xf32>,
        tpu.vector_store %arg7[%swap3A_257, %swap3A_258], %gather3A_235 {strides = array<i32>} : memref<32x128xf32, #tpu.memory_space<vmem>>, vector<16xf32>,
      }
      %scan3A_52 = arith.constant 32 : i32
      %dma_start3A_53 = arith.constant 0 : i32
      %dma_start3A_54 = arith.constant 0 : i32
      %dma_start3A_55 = tpu.memref_slice %arg4[%dma_start3A_53, %add3A_26, %dma_start3A_54] : memref<128x832x128xf32, #tpu.memory_space<hbm>> -> memref<32x1x128xf32, #tpu.memory_space<hbm>>
      %dma_start3A_56 = tpu.memref_squeeze %dma_start3A_55 : memref<32x1x128xf32, #tpu.memory_space<hbm>> -> memref<32x128xf32, #tpu.memory_space<hbm>>
      %dma_start3A_57 = arith.constant 0 : i32
      %dma_start3A_58 = arith.constant 0 : i32
      %dma_start3A_59 = tpu.memref_slice %arg4[%dma_start3A_57, %add3A_26, %dma_start3A_58] : memref<128x832x128xf32, #tpu.memory_space<hbm>> -> memref<32x1x128xf32, #tpu.memory_space<hbm>>
      %dma_start3A_60 = tpu.memref_squeeze %dma_start3A_59 : memref<32x1x128xf32, #tpu.memory_space<hbm>> -> memref<32x128xf32, #tpu.memory_space<hbm>>
      tpu.enqueue_dma source(%arg7 : memref<32x128xf32, #tpu.memory_space<vmem>>) target(%dma_start3A_60 : memref<32x128xf32, #tpu.memory_space<hbm>>) target_semaphore(%arg11 : memref<!tpu.dma_semaphore, #tpu.memory_space<semaphore_mem>>)
      %gt3A_61 = arith.constant 0 : i32
      %gt3A_62 = arith.cmpi sgt, %scan3A_23, %gt3A_61 : i32
      %or3A_63 = arith.constant false
      %or3A_64 = arith.ori %gt3A_62, %or3A_63 : i1
      %convert_element_type3A_65 = arith.extui %or3A_64 : i1 to i32
      %cond3A_66 = arith.constant 0 : i32
      %cond3A_67 = arith.cmpi ne, %convert_element_type3A_65, %cond3A_66 : i32
      scf.if %cond3A_67 {
        %dma_wait3A_124 = arith.constant 32 : i32
        %dma_wait3A_125 = arith.constant 0 : i32
        %dma_wait3A_126 = tpu.memref_slice %arg4[%dma_wait3A_124, %add3A_26, %dma_wait3A_125] : memref<128x832x128xf32, #tpu.memory_space<hbm>> -> memref<32x1x128xf32, #tpu.memory_space<hbm>>
        %dma_wait3A_127 = tpu.memref_squeeze %dma_wait3A_126 : memref<32x1x128xf32, #tpu.memory_space<hbm>> -> memref<32x128xf32, #tpu.memory_space<hbm>>
        %dma_wait3A_128 = arith.constant 32 : i32
        %dma_wait3A_129 = arith.constant 0 : i32
        %dma_wait3A_130 = tpu.memref_slice %arg4[%dma_wait3A_128, %add3A_26, %dma_wait3A_129] : memref<128x832x128xf32, #tpu.memory_space<hbm>> -> memref<32x1x128xf32, #tpu.memory_space<hbm>>
        %dma_wait3A_131 = tpu.memref_squeeze %dma_wait3A_130 : memref<32x1x128xf32, #tpu.memory_space<hbm>> -> memref<32x128xf32, #tpu.memory_space<hbm>>
        tpu.wait_dma2 semaphore(%arg12 : memref<!tpu.dma_semaphore, #tpu.memory_space<semaphore_mem>>) src(%arg8 : memref<32x128xf32, #tpu.memory_space<vmem>>) dst(%dma_wait3A_131 : memref<32x128xf32, #tpu.memory_space<hbm>>)
      } else {
      }
      %scan3A_68 = arith.constant 0 : i32
      %scan3A_69 = arith.constant 0 : i32
      %scan3A_70 = arith.constant 32 : i32
      %scan3A_71 = arith.addi %scan3A_69, %scan3A_70 : i32
      %scan3A_72 = arith.constant 2 : i32
      scf.for %scan3A_124 = %scan3A_69 to %scan3A_71 step %scan3A_72  : i32 {
        %mul3A_125 = arith.constant 128 : i32
        %mul3A_126 = arith.muli %scan3A_124, %mul3A_125 : i32
        %add3A_127 = arith.constant 4096 : i32
        %add3A_128 = arith.addi %add3A_127, %mul3A_126 : i32
        %add3A_129 = arith.constant 0 : i32
        %add3A_130 = arith.addi %add3A_128, %add3A_129 : i32
        %get3A = arith.index_cast %add3A_130 : i32 to index
        %get3A_131 = tpu.vector_load %arg6[%get3A] {strides = array<i32>} : memref<16384xi32, #tpu.memory_space<vmem>>, vector<16xi32>,
        %add3A_132 = arith.constant 16 : i32
        %add3A_133 = arith.addi %add3A_128, %add3A_132 : i32
        %get3A_134 = arith.index_cast %add3A_133 : i32 to index
        %get3A_135 = tpu.vector_load %arg6[%get3A_134] {strides = array<i32>} : memref<16384xi32, #tpu.memory_space<vmem>>, vector<16xi32>,
        %add3A_136 = arith.constant 32 : i32
        %add3A_137 = arith.addi %add3A_128, %add3A_136 : i32
        %get3A_138 = arith.index_cast %add3A_137 : i32 to index
        %get3A_139 = tpu.vector_load %arg6[%get3A_138] {strides = array<i32>} : memref<16384xi32, #tpu.memory_space<vmem>>, vector<16xi32>,
        %add3A_140 = arith.constant 48 : i32
        %add3A_141 = arith.addi %add3A_128, %add3A_140 : i32
        %get3A_142 = arith.index_cast %add3A_141 : i32 to index
        %get3A_143 = tpu.vector_load %arg6[%get3A_142] {strides = array<i32>} : memref<16384xi32, #tpu.memory_space<vmem>>, vector<16xi32>,
        %add3A_144 = arith.constant 64 : i32
        %add3A_145 = arith.addi %add3A_128, %add3A_144 : i32
        %get3A_146 = arith.index_cast %add3A_145 : i32 to index
        %get3A_147 = tpu.vector_load %arg6[%get3A_146] {strides = array<i32>} : memref<16384xi32, #tpu.memory_space<vmem>>, vector<16xi32>,
        %add3A_148 = arith.constant 80 : i32
        %add3A_149 = arith.addi %add3A_128, %add3A_148 : i32
        %get3A_150 = arith.index_cast %add3A_149 : i32 to index
        %get3A_151 = tpu.vector_load %arg6[%get3A_150] {strides = array<i32>} : memref<16384xi32, #tpu.memory_space<vmem>>, vector<16xi32>,
        %add3A_152 = arith.constant 96 : i32
        %add3A_153 = arith.addi %add3A_128, %add3A_152 : i32
        %get3A_154 = arith.index_cast %add3A_153 : i32 to index
        %get3A_155 = tpu.vector_load %arg6[%get3A_154] {strides = array<i32>} : memref<16384xi32, #tpu.memory_space<vmem>>, vector<16xi32>,
        %add3A_156 = arith.constant 112 : i32
        %add3A_157 = arith.addi %add3A_128, %add3A_156 : i32
        %get3A_158 = arith.index_cast %add3A_157 : i32 to index
        %get3A_159 = tpu.vector_load %arg6[%get3A_158] {strides = array<i32>} : memref<16384xi32, #tpu.memory_space<vmem>>, vector<16xi32>,
        %gather3A = tpu.vector_load_idx %arg5[%get3A_131] : memref<100000xf32, #tpu.memory_space<vmem>>[vector<16xi32>], vector<16xf32>,
        %gather3A_160 = tpu.vector_load_idx %arg5[%get3A_135] : memref<100000xf32, #tpu.memory_space<vmem>>[vector<16xi32>], vector<16xf32>,
        %gather3A_161 = tpu.vector_load_idx %arg5[%get3A_139] : memref<100000xf32, #tpu.memory_space<vmem>>[vector<16xi32>], vector<16xf32>,
        %gather3A_162 = tpu.vector_load_idx %arg5[%get3A_143] : memref<100000xf32, #tpu.memory_space<vmem>>[vector<16xi32>], vector<16xf32>,
        %gather3A_163 = tpu.vector_load_idx %arg5[%get3A_147] : memref<100000xf32, #tpu.memory_space<vmem>>[vector<16xi32>], vector<16xf32>,
        %gather3A_164 = tpu.vector_load_idx %arg5[%get3A_151] : memref<100000xf32, #tpu.memory_space<vmem>>[vector<16xi32>], vector<16xf32>,
        %gather3A_165 = tpu.vector_load_idx %arg5[%get3A_155] : memref<100000xf32, #tpu.memory_space<vmem>>[vector<16xi32>], vector<16xf32>,
        %gather3A_166 = tpu.vector_load_idx %arg5[%get3A_159] : memref<100000xf32, #tpu.memory_space<vmem>>[vector<16xi32>], vector<16xf32>,
        %swap3A = arith.index_cast %scan3A_124 : i32 to index
        %swap3A_167 = arith.constant 0 : index
        %swap3A_168 = tpu.vector_load %arg8[%swap3A, %swap3A_167] {strides = array<i32>} : memref<32x128xf32, #tpu.memory_space<vmem>>, vector<16xf32>,
        tpu.vector_store %arg8[%swap3A, %swap3A_167], %gather3A {strides = array<i32>} : memref<32x128xf32, #tpu.memory_space<vmem>>, vector<16xf32>,
        %swap3A_169 = arith.index_cast %scan3A_124 : i32 to index
        %swap3A_170 = arith.constant 16 : index
        %swap3A_171 = tpu.vector_load %arg8[%swap3A_169, %swap3A_170] {strides = array<i32>} : memref<32x128xf32, #tpu.memory_space<vmem>>, vector<16xf32>,
        tpu.vector_store %arg8[%swap3A_169, %swap3A_170], %gather3A_160 {strides = array<i32>} : memref<32x128xf32, #tpu.memory_space<vmem>>, vector<16xf32>,
        %swap3A_172 = arith.index_cast %scan3A_124 : i32 to index
        %swap3A_173 = arith.constant 32 : index
        %swap3A_174 = tpu.vector_load %arg8[%swap3A_172, %swap3A_173] {strides = array<i32>} : memref<32x128xf32, #tpu.memory_space<vmem>>, vector<16xf32>,
        tpu.vector_store %arg8[%swap3A_172, %swap3A_173], %gather3A_161 {strides = array<i32>} : memref<32x128xf32, #tpu.memory_space<vmem>>, vector<16xf32>,
        %swap3A_175 = arith.index_cast %scan3A_124 : i32 to index
        %swap3A_176 = arith.constant 48 : index
        %swap3A_177 = tpu.vector_load %arg8[%swap3A_175, %swap3A_176] {strides = array<i32>} : memref<32x128xf32, #tpu.memory_space<vmem>>, vector<16xf32>,
        tpu.vector_store %arg8[%swap3A_175, %swap3A_176], %gather3A_162 {strides = array<i32>} : memref<32x128xf32, #tpu.memory_space<vmem>>, vector<16xf32>,
        %swap3A_178 = arith.index_cast %scan3A_124 : i32 to index
        %swap3A_179 = arith.constant 64 : index
        %swap3A_180 = tpu.vector_load %arg8[%swap3A_178, %swap3A_179] {strides = array<i32>} : memref<32x128xf32, #tpu.memory_space<vmem>>, vector<16xf32>,
        tpu.vector_store %arg8[%swap3A_178, %swap3A_179], %gather3A_163 {strides = array<i32>} : memref<32x128xf32, #tpu.memory_space<vmem>>, vector<16xf32>,
        %swap3A_181 = arith.index_cast %scan3A_124 : i32 to index
        %swap3A_182 = arith.constant 80 : index
        %swap3A_183 = tpu.vector_load %arg8[%swap3A_181, %swap3A_182] {strides = array<i32>} : memref<32x128xf32, #tpu.memory_space<vmem>>, vector<16xf32>,
        tpu.vector_store %arg8[%swap3A_181, %swap3A_182], %gather3A_164 {strides = array<i32>} : memref<32x128xf32, #tpu.memory_space<vmem>>, vector<16xf32>,
        %swap3A_184 = arith.index_cast %scan3A_124 : i32 to index
        %swap3A_185 = arith.constant 96 : index
        %swap3A_186 = tpu.vector_load %arg8[%swap3A_184, %swap3A_185] {strides = array<i32>} : memref<32x128xf32, #tpu.memory_space<vmem>>, vector<16xf32>,
        tpu.vector_store %arg8[%swap3A_184, %swap3A_185], %gather3A_165 {strides = array<i32>} : memref<32x128xf32, #tpu.memory_space<vmem>>, vector<16xf32>,
        %swap3A_187 = arith.index_cast %scan3A_124 : i32 to index
        %swap3A_188 = arith.constant 112 : index
        %swap3A_189 = tpu.vector_load %arg8[%swap3A_187, %swap3A_188] {strides = array<i32>} : memref<32x128xf32, #tpu.memory_space<vmem>>, vector<16xf32>,
        tpu.vector_store %arg8[%swap3A_187, %swap3A_188], %gather3A_166 {strides = array<i32>} : memref<32x128xf32, #tpu.memory_space<vmem>>, vector<16xf32>,
        %scan3A_190 = arith.constant 1 : i32
        %scan3A_191 = arith.addi %scan3A_124, %scan3A_190 : i32
        %mul3A_192 = arith.constant 128 : i32
        %mul3A_193 = arith.muli %scan3A_191, %mul3A_192 : i32
        %add3A_194 = arith.constant 4096 : i32
        %add3A_195 = arith.addi %add3A_194, %mul3A_193 : i32
        %add3A_196 = arith.constant 0 : i32
        %add3A_197 = arith.addi %add3A_195, %add3A_196 : i32
        %get3A_198 = arith.index_cast %add3A_197 : i32 to index
        %get3A_199 = tpu.vector_load %arg6[%get3A_198] {strides = array<i32>} : memref<16384xi32, #tpu.memory_space<vmem>>, vector<16xi32>,
        %add3A_200 = arith.constant 16 : i32
        %add3A_201 = arith.addi %add3A_195, %add3A_200 : i32
        %get3A_202 = arith.index_cast %add3A_201 : i32 to index
        %get3A_203 = tpu.vector_load %arg6[%get3A_202] {strides = array<i32>} : memref<16384xi32, #tpu.memory_space<vmem>>, vector<16xi32>,
        %add3A_204 = arith.constant 32 : i32
        %add3A_205 = arith.addi %add3A_195, %add3A_204 : i32
        %get3A_206 = arith.index_cast %add3A_205 : i32 to index
        %get3A_207 = tpu.vector_load %arg6[%get3A_206] {strides = array<i32>} : memref<16384xi32, #tpu.memory_space<vmem>>, vector<16xi32>,
        %add3A_208 = arith.constant 48 : i32
        %add3A_209 = arith.addi %add3A_195, %add3A_208 : i32
        %get3A_210 = arith.index_cast %add3A_209 : i32 to index
        %get3A_211 = tpu.vector_load %arg6[%get3A_210] {strides = array<i32>} : memref<16384xi32, #tpu.memory_space<vmem>>, vector<16xi32>,
        %add3A_212 = arith.constant 64 : i32
        %add3A_213 = arith.addi %add3A_195, %add3A_212 : i32
        %get3A_214 = arith.index_cast %add3A_213 : i32 to index
        %get3A_215 = tpu.vector_load %arg6[%get3A_214] {strides = array<i32>} : memref<16384xi32, #tpu.memory_space<vmem>>, vector<16xi32>,
        %add3A_216 = arith.constant 80 : i32
        %add3A_217 = arith.addi %add3A_195, %add3A_216 : i32
        %get3A_218 = arith.index_cast %add3A_217 : i32 to index
        %get3A_219 = tpu.vector_load %arg6[%get3A_218] {strides = array<i32>} : memref<16384xi32, #tpu.memory_space<vmem>>, vector<16xi32>,
        %add3A_220 = arith.constant 96 : i32
        %add3A_221 = arith.addi %add3A_195, %add3A_220 : i32
        %get3A_222 = arith.index_cast %add3A_221 : i32 to index
        %get3A_223 = tpu.vector_load %arg6[%get3A_222] {strides = array<i32>} : memref<16384xi32, #tpu.memory_space<vmem>>, vector<16xi32>,
        %add3A_224 = arith.constant 112 : i32
        %add3A_225 = arith.addi %add3A_195, %add3A_224 : i32
        %get3A_226 = arith.index_cast %add3A_225 : i32 to index
        %get3A_227 = tpu.vector_load %arg6[%get3A_226] {strides = array<i32>} : memref<16384xi32, #tpu.memory_space<vmem>>, vector<16xi32>,
        %gather3A_228 = tpu.vector_load_idx %arg5[%get3A_199] : memref<100000xf32, #tpu.memory_space<vmem>>[vector<16xi32>], vector<16xf32>,
        %gather3A_229 = tpu.vector_load_idx %arg5[%get3A_203] : memref<100000xf32, #tpu.memory_space<vmem>>[vector<16xi32>], vector<16xf32>,
        %gather3A_230 = tpu.vector_load_idx %arg5[%get3A_207] : memref<100000xf32, #tpu.memory_space<vmem>>[vector<16xi32>], vector<16xf32>,
        %gather3A_231 = tpu.vector_load_idx %arg5[%get3A_211] : memref<100000xf32, #tpu.memory_space<vmem>>[vector<16xi32>], vector<16xf32>,
        %gather3A_232 = tpu.vector_load_idx %arg5[%get3A_215] : memref<100000xf32, #tpu.memory_space<vmem>>[vector<16xi32>], vector<16xf32>,
        %gather3A_233 = tpu.vector_load_idx %arg5[%get3A_219] : memref<100000xf32, #tpu.memory_space<vmem>>[vector<16xi32>], vector<16xf32>,
        %gather3A_234 = tpu.vector_load_idx %arg5[%get3A_223] : memref<100000xf32, #tpu.memory_space<vmem>>[vector<16xi32>], vector<16xf32>,
        %gather3A_235 = tpu.vector_load_idx %arg5[%get3A_227] : memref<100000xf32, #tpu.memory_space<vmem>>[vector<16xi32>], vector<16xf32>,
        %swap3A_236 = arith.index_cast %scan3A_191 : i32 to index
        %swap3A_237 = arith.constant 0 : index
        %swap3A_238 = tpu.vector_load %arg8[%swap3A_236, %swap3A_237] {strides = array<i32>} : memref<32x128xf32, #tpu.memory_space<vmem>>, vector<16xf32>,
        tpu.vector_store %arg8[%swap3A_236, %swap3A_237], %gather3A_228 {strides = array<i32>} : memref<32x128xf32, #tpu.memory_space<vmem>>, vector<16xf32>,
        %swap3A_239 = arith.index_cast %scan3A_191 : i32 to index
        %swap3A_240 = arith.constant 16 : index
        %swap3A_241 = tpu.vector_load %arg8[%swap3A_239, %swap3A_240] {strides = array<i32>} : memref<32x128xf32, #tpu.memory_space<vmem>>, vector<16xf32>,
        tpu.vector_store %arg8[%swap3A_239, %swap3A_240], %gather3A_229 {strides = array<i32>} : memref<32x128xf32, #tpu.memory_space<vmem>>, vector<16xf32>,
        %swap3A_242 = arith.index_cast %scan3A_191 : i32 to index
        %swap3A_243 = arith.constant 32 : index
        %swap3A_244 = tpu.vector_load %arg8[%swap3A_242, %swap3A_243] {strides = array<i32>} : memref<32x128xf32, #tpu.memory_space<vmem>>, vector<16xf32>,
        tpu.vector_store %arg8[%swap3A_242, %swap3A_243], %gather3A_230 {strides = array<i32>} : memref<32x128xf32, #tpu.memory_space<vmem>>, vector<16xf32>,
        %swap3A_245 = arith.index_cast %scan3A_191 : i32 to index
        %swap3A_246 = arith.constant 48 : index
        %swap3A_247 = tpu.vector_load %arg8[%swap3A_245, %swap3A_246] {strides = array<i32>} : memref<32x128xf32, #tpu.memory_space<vmem>>, vector<16xf32>,
        tpu.vector_store %arg8[%swap3A_245, %swap3A_246], %gather3A_231 {strides = array<i32>} : memref<32x128xf32, #tpu.memory_space<vmem>>, vector<16xf32>,
        %swap3A_248 = arith.index_cast %scan3A_191 : i32 to index
        %swap3A_249 = arith.constant 64 : index
        %swap3A_250 = tpu.vector_load %arg8[%swap3A_248, %swap3A_249] {strides = array<i32>} : memref<32x128xf32, #tpu.memory_space<vmem>>, vector<16xf32>,
        tpu.vector_store %arg8[%swap3A_248, %swap3A_249], %gather3A_232 {strides = array<i32>} : memref<32x128xf32, #tpu.memory_space<vmem>>, vector<16xf32>,
        %swap3A_251 = arith.index_cast %scan3A_191 : i32 to index
        %swap3A_252 = arith.constant 80 : index
        %swap3A_253 = tpu.vector_load %arg8[%swap3A_251, %swap3A_252] {strides = array<i32>} : memref<32x128xf32, #tpu.memory_space<vmem>>, vector<16xf32>,
        tpu.vector_store %arg8[%swap3A_251, %swap3A_252], %gather3A_233 {strides = array<i32>} : memref<32x128xf32, #tpu.memory_space<vmem>>, vector<16xf32>,
        %swap3A_254 = arith.index_cast %scan3A_191 : i32 to index
        %swap3A_255 = arith.constant 96 : index
        %swap3A_256 = tpu.vector_load %arg8[%swap3A_254, %swap3A_255] {strides = array<i32>} : memref<32x128xf32, #tpu.memory_space<vmem>>, vector<16xf32>,
        tpu.vector_store %arg8[%swap3A_254, %swap3A_255], %gather3A_234 {strides = array<i32>} : memref<32x128xf32, #tpu.memory_space<vmem>>, vector<16xf32>,
        %swap3A_257 = arith.index_cast %scan3A_191 : i32 to index
        %swap3A_258 = arith.constant 112 : index
        %swap3A_259 = tpu.vector_load %arg8[%swap3A_257, %swap3A_258] {strides = array<i32>} : memref<32x128xf32, #tpu.memory_space<vmem>>, vector<16xf32>,
        tpu.vector_store %arg8[%swap3A_257, %swap3A_258], %gather3A_235 {strides = array<i32>} : memref<32x128xf32, #tpu.memory_space<vmem>>, vector<16xf32>,
      }
      %scan3A_73 = arith.constant 32 : i32
      %dma_start3A_74 = arith.constant 32 : i32
      %dma_start3A_75 = arith.constant 0 : i32
      %dma_start3A_76 = tpu.memref_slice %arg4[%dma_start3A_74, %add3A_26, %dma_start3A_75] : memref<128x832x128xf32, #tpu.memory_space<hbm>> -> memref<32x1x128xf32, #tpu.memory_space<hbm>>
      %dma_start3A_77 = tpu.memref_squeeze %dma_start3A_76 : memref<32x1x128xf32, #tpu.memory_space<hbm>> -> memref<32x128xf32, #tpu.memory_space<hbm>>
      %dma_start3A_78 = arith.constant 32 : i32
      %dma_start3A_79 = arith.constant 0 : i32
      %dma_start3A_80 = tpu.memref_slice %arg4[%dma_start3A_78, %add3A_26, %dma_start3A_79] : memref<128x832x128xf32, #tpu.memory_space<hbm>> -> memref<32x1x128xf32, #tpu.memory_space<hbm>>
      %dma_start3A_81 = tpu.memref_squeeze %dma_start3A_80 : memref<32x1x128xf32, #tpu.memory_space<hbm>> -> memref<32x128xf32, #tpu.memory_space<hbm>>
      tpu.enqueue_dma source(%arg8 : memref<32x128xf32, #tpu.memory_space<vmem>>) target(%dma_start3A_81 : memref<32x128xf32, #tpu.memory_space<hbm>>) target_semaphore(%arg12 : memref<!tpu.dma_semaphore, #tpu.memory_space<semaphore_mem>>)
      %gt3A_82 = arith.constant 0 : i32
      %gt3A_83 = arith.cmpi sgt, %scan3A_23, %gt3A_82 : i32
      %or3A_84 = arith.constant true
      %or3A_85 = arith.ori %gt3A_83, %or3A_84 : i1
      %convert_element_type3A_86 = arith.extui %or3A_85 : i1 to i32
      %cond3A_87 = arith.constant 0 : i32
      %cond3A_88 = arith.cmpi ne, %convert_element_type3A_86, %cond3A_87 : i32
      scf.if %cond3A_88 {
        %dma_wait3A_124 = arith.constant 64 : i32
        %dma_wait3A_125 = arith.constant 0 : i32
        %dma_wait3A_126 = tpu.memref_slice %arg4[%dma_wait3A_124, %add3A_26, %dma_wait3A_125] : memref<128x832x128xf32, #tpu.memory_space<hbm>> -> memref<32x1x128xf32, #tpu.memory_space<hbm>>
        %dma_wait3A_127 = tpu.memref_squeeze %dma_wait3A_126 : memref<32x1x128xf32, #tpu.memory_space<hbm>> -> memref<32x128xf32, #tpu.memory_space<hbm>>
        %dma_wait3A_128 = arith.constant 64 : i32
        %dma_wait3A_129 = arith.constant 0 : i32
        %dma_wait3A_130 = tpu.memref_slice %arg4[%dma_wait3A_128, %add3A_26, %dma_wait3A_129] : memref<128x832x128xf32, #tpu.memory_space<hbm>> -> memref<32x1x128xf32, #tpu.memory_space<hbm>>
        %dma_wait3A_131 = tpu.memref_squeeze %dma_wait3A_130 : memref<32x1x128xf32, #tpu.memory_space<hbm>> -> memref<32x128xf32, #tpu.memory_space<hbm>>
        tpu.wait_dma2 semaphore(%arg11 : memref<!tpu.dma_semaphore, #tpu.memory_space<semaphore_mem>>) src(%arg7 : memref<32x128xf32, #tpu.memory_space<vmem>>) dst(%dma_wait3A_131 : memref<32x128xf32, #tpu.memory_space<hbm>>)
      } else {
      }
      %scan3A_89 = arith.constant 0 : i32
      %scan3A_90 = arith.constant 0 : i32
      %scan3A_91 = arith.constant 32 : i32
      %scan3A_92 = arith.addi %scan3A_90, %scan3A_91 : i32
      %scan3A_93 = arith.constant 2 : i32
      scf.for %scan3A_124 = %scan3A_90 to %scan3A_92 step %scan3A_93  : i32 {
        %mul3A_125 = arith.constant 128 : i32
        %mul3A_126 = arith.muli %scan3A_124, %mul3A_125 : i32
        %add3A_127 = arith.constant 8192 : i32
        %add3A_128 = arith.addi %add3A_127, %mul3A_126 : i32
        %add3A_129 = arith.constant 0 : i32
        %add3A_130 = arith.addi %add3A_128, %add3A_129 : i32
        %get3A = arith.index_cast %add3A_130 : i32 to index
        %get3A_131 = tpu.vector_load %arg6[%get3A] {strides = array<i32>} : memref<16384xi32, #tpu.memory_space<vmem>>, vector<16xi32>,
        %add3A_132 = arith.constant 16 : i32
        %add3A_133 = arith.addi %add3A_128, %add3A_132 : i32
        %get3A_134 = arith.index_cast %add3A_133 : i32 to index
        %get3A_135 = tpu.vector_load %arg6[%get3A_134] {strides = array<i32>} : memref<16384xi32, #tpu.memory_space<vmem>>, vector<16xi32>,
        %add3A_136 = arith.constant 32 : i32
        %add3A_137 = arith.addi %add3A_128, %add3A_136 : i32
        %get3A_138 = arith.index_cast %add3A_137 : i32 to index
        %get3A_139 = tpu.vector_load %arg6[%get3A_138] {strides = array<i32>} : memref<16384xi32, #tpu.memory_space<vmem>>, vector<16xi32>,
        %add3A_140 = arith.constant 48 : i32
        %add3A_141 = arith.addi %add3A_128, %add3A_140 : i32
        %get3A_142 = arith.index_cast %add3A_141 : i32 to index
        %get3A_143 = tpu.vector_load %arg6[%get3A_142] {strides = array<i32>} : memref<16384xi32, #tpu.memory_space<vmem>>, vector<16xi32>,
        %add3A_144 = arith.constant 64 : i32
        %add3A_145 = arith.addi %add3A_128, %add3A_144 : i32
        %get3A_146 = arith.index_cast %add3A_145 : i32 to index
        %get3A_147 = tpu.vector_load %arg6[%get3A_146] {strides = array<i32>} : memref<16384xi32, #tpu.memory_space<vmem>>, vector<16xi32>,
        %add3A_148 = arith.constant 80 : i32
        %add3A_149 = arith.addi %add3A_128, %add3A_148 : i32
        %get3A_150 = arith.index_cast %add3A_149 : i32 to index
        %get3A_151 = tpu.vector_load %arg6[%get3A_150] {strides = array<i32>} : memref<16384xi32, #tpu.memory_space<vmem>>, vector<16xi32>,
        %add3A_152 = arith.constant 96 : i32
        %add3A_153 = arith.addi %add3A_128, %add3A_152 : i32
        %get3A_154 = arith.index_cast %add3A_153 : i32 to index
        %get3A_155 = tpu.vector_load %arg6[%get3A_154] {strides = array<i32>} : memref<16384xi32, #tpu.memory_space<vmem>>, vector<16xi32>,
        %add3A_156 = arith.constant 112 : i32
        %add3A_157 = arith.addi %add3A_128, %add3A_156 : i32
        %get3A_158 = arith.index_cast %add3A_157 : i32 to index
        %get3A_159 = tpu.vector_load %arg6[%get3A_158] {strides = array<i32>} : memref<16384xi32, #tpu.memory_space<vmem>>, vector<16xi32>,
        %gather3A = tpu.vector_load_idx %arg5[%get3A_131] : memref<100000xf32, #tpu.memory_space<vmem>>[vector<16xi32>], vector<16xf32>,
        %gather3A_160 = tpu.vector_load_idx %arg5[%get3A_135] : memref<100000xf32, #tpu.memory_space<vmem>>[vector<16xi32>], vector<16xf32>,
        %gather3A_161 = tpu.vector_load_idx %arg5[%get3A_139] : memref<100000xf32, #tpu.memory_space<vmem>>[vector<16xi32>], vector<16xf32>,
        %gather3A_162 = tpu.vector_load_idx %arg5[%get3A_143] : memref<100000xf32, #tpu.memory_space<vmem>>[vector<16xi32>], vector<16xf32>,
        %gather3A_163 = tpu.vector_load_idx %arg5[%get3A_147] : memref<100000xf32, #tpu.memory_space<vmem>>[vector<16xi32>], vector<16xf32>,
        %gather3A_164 = tpu.vector_load_idx %arg5[%get3A_151] : memref<100000xf32, #tpu.memory_space<vmem>>[vector<16xi32>], vector<16xf32>,
        %gather3A_165 = tpu.vector_load_idx %arg5[%get3A_155] : memref<100000xf32, #tpu.memory_space<vmem>>[vector<16xi32>], vector<16xf32>,
        %gather3A_166 = tpu.vector_load_idx %arg5[%get3A_159] : memref<100000xf32, #tpu.memory_space<vmem>>[vector<16xi32>], vector<16xf32>,
        %swap3A = arith.index_cast %scan3A_124 : i32 to index
        %swap3A_167 = arith.constant 0 : index
        %swap3A_168 = tpu.vector_load %arg7[%swap3A, %swap3A_167] {strides = array<i32>} : memref<32x128xf32, #tpu.memory_space<vmem>>, vector<16xf32>,
        tpu.vector_store %arg7[%swap3A, %swap3A_167], %gather3A {strides = array<i32>} : memref<32x128xf32, #tpu.memory_space<vmem>>, vector<16xf32>,
        %swap3A_169 = arith.index_cast %scan3A_124 : i32 to index
        %swap3A_170 = arith.constant 16 : index
        %swap3A_171 = tpu.vector_load %arg7[%swap3A_169, %swap3A_170] {strides = array<i32>} : memref<32x128xf32, #tpu.memory_space<vmem>>, vector<16xf32>,
        tpu.vector_store %arg7[%swap3A_169, %swap3A_170], %gather3A_160 {strides = array<i32>} : memref<32x128xf32, #tpu.memory_space<vmem>>, vector<16xf32>,
        %swap3A_172 = arith.index_cast %scan3A_124 : i32 to index
        %swap3A_173 = arith.constant 32 : index
        %swap3A_174 = tpu.vector_load %arg7[%swap3A_172, %swap3A_173] {strides = array<i32>} : memref<32x128xf32, #tpu.memory_space<vmem>>, vector<16xf32>,
        tpu.vector_store %arg7[%swap3A_172, %swap3A_173], %gather3A_161 {strides = array<i32>} : memref<32x128xf32, #tpu.memory_space<vmem>>, vector<16xf32>,
        %swap3A_175 = arith.index_cast %scan3A_124 : i32 to index
        %swap3A_176 = arith.constant 48 : index
        %swap3A_177 = tpu.vector_load %arg7[%swap3A_175, %swap3A_176] {strides = array<i32>} : memref<32x128xf32, #tpu.memory_space<vmem>>, vector<16xf32>,
        tpu.vector_store %arg7[%swap3A_175, %swap3A_176], %gather3A_162 {strides = array<i32>} : memref<32x128xf32, #tpu.memory_space<vmem>>, vector<16xf32>,
        %swap3A_178 = arith.index_cast %scan3A_124 : i32 to index
        %swap3A_179 = arith.constant 64 : index
        %swap3A_180 = tpu.vector_load %arg7[%swap3A_178, %swap3A_179] {strides = array<i32>} : memref<32x128xf32, #tpu.memory_space<vmem>>, vector<16xf32>,
        tpu.vector_store %arg7[%swap3A_178, %swap3A_179], %gather3A_163 {strides = array<i32>} : memref<32x128xf32, #tpu.memory_space<vmem>>, vector<16xf32>,
        %swap3A_181 = arith.index_cast %scan3A_124 : i32 to index
        %swap3A_182 = arith.constant 80 : index
        %swap3A_183 = tpu.vector_load %arg7[%swap3A_181, %swap3A_182] {strides = array<i32>} : memref<32x128xf32, #tpu.memory_space<vmem>>, vector<16xf32>,
        tpu.vector_store %arg7[%swap3A_181, %swap3A_182], %gather3A_164 {strides = array<i32>} : memref<32x128xf32, #tpu.memory_space<vmem>>, vector<16xf32>,
        %swap3A_184 = arith.index_cast %scan3A_124 : i32 to index
        %swap3A_185 = arith.constant 96 : index
        %swap3A_186 = tpu.vector_load %arg7[%swap3A_184, %swap3A_185] {strides = array<i32>} : memref<32x128xf32, #tpu.memory_space<vmem>>, vector<16xf32>,
        tpu.vector_store %arg7[%swap3A_184, %swap3A_185], %gather3A_165 {strides = array<i32>} : memref<32x128xf32, #tpu.memory_space<vmem>>, vector<16xf32>,
        %swap3A_187 = arith.index_cast %scan3A_124 : i32 to index
        %swap3A_188 = arith.constant 112 : index
        %swap3A_189 = tpu.vector_load %arg7[%swap3A_187, %swap3A_188] {strides = array<i32>} : memref<32x128xf32, #tpu.memory_space<vmem>>, vector<16xf32>,
        tpu.vector_store %arg7[%swap3A_187, %swap3A_188], %gather3A_166 {strides = array<i32>} : memref<32x128xf32, #tpu.memory_space<vmem>>, vector<16xf32>,
        %scan3A_190 = arith.constant 1 : i32
        %scan3A_191 = arith.addi %scan3A_124, %scan3A_190 : i32
        %mul3A_192 = arith.constant 128 : i32
        %mul3A_193 = arith.muli %scan3A_191, %mul3A_192 : i32
        %add3A_194 = arith.constant 8192 : i32
        %add3A_195 = arith.addi %add3A_194, %mul3A_193 : i32
        %add3A_196 = arith.constant 0 : i32
        %add3A_197 = arith.addi %add3A_195, %add3A_196 : i32
        %get3A_198 = arith.index_cast %add3A_197 : i32 to index
        %get3A_199 = tpu.vector_load %arg6[%get3A_198] {strides = array<i32>} : memref<16384xi32, #tpu.memory_space<vmem>>, vector<16xi32>,
        %add3A_200 = arith.constant 16 : i32
        %add3A_201 = arith.addi %add3A_195, %add3A_200 : i32
        %get3A_202 = arith.index_cast %add3A_201 : i32 to index
        %get3A_203 = tpu.vector_load %arg6[%get3A_202] {strides = array<i32>} : memref<16384xi32, #tpu.memory_space<vmem>>, vector<16xi32>,
        %add3A_204 = arith.constant 32 : i32
        %add3A_205 = arith.addi %add3A_195, %add3A_204 : i32
        %get3A_206 = arith.index_cast %add3A_205 : i32 to index
        %get3A_207 = tpu.vector_load %arg6[%get3A_206] {strides = array<i32>} : memref<16384xi32, #tpu.memory_space<vmem>>, vector<16xi32>,
        %add3A_208 = arith.constant 48 : i32
        %add3A_209 = arith.addi %add3A_195, %add3A_208 : i32
        %get3A_210 = arith.index_cast %add3A_209 : i32 to index
        %get3A_211 = tpu.vector_load %arg6[%get3A_210] {strides = array<i32>} : memref<16384xi32, #tpu.memory_space<vmem>>, vector<16xi32>,
        %add3A_212 = arith.constant 64 : i32
        %add3A_213 = arith.addi %add3A_195, %add3A_212 : i32
        %get3A_214 = arith.index_cast %add3A_213 : i32 to index
        %get3A_215 = tpu.vector_load %arg6[%get3A_214] {strides = array<i32>} : memref<16384xi32, #tpu.memory_space<vmem>>, vector<16xi32>,
        %add3A_216 = arith.constant 80 : i32
        %add3A_217 = arith.addi %add3A_195, %add3A_216 : i32
        %get3A_218 = arith.index_cast %add3A_217 : i32 to index
        %get3A_219 = tpu.vector_load %arg6[%get3A_218] {strides = array<i32>} : memref<16384xi32, #tpu.memory_space<vmem>>, vector<16xi32>,
        %add3A_220 = arith.constant 96 : i32
        %add3A_221 = arith.addi %add3A_195, %add3A_220 : i32
        %get3A_222 = arith.index_cast %add3A_221 : i32 to index
        %get3A_223 = tpu.vector_load %arg6[%get3A_222] {strides = array<i32>} : memref<16384xi32, #tpu.memory_space<vmem>>, vector<16xi32>,
        %add3A_224 = arith.constant 112 : i32
        %add3A_225 = arith.addi %add3A_195, %add3A_224 : i32
        %get3A_226 = arith.index_cast %add3A_225 : i32 to index
        %get3A_227 = tpu.vector_load %arg6[%get3A_226] {strides = array<i32>} : memref<16384xi32, #tpu.memory_space<vmem>>, vector<16xi32>,
        %gather3A_228 = tpu.vector_load_idx %arg5[%get3A_199] : memref<100000xf32, #tpu.memory_space<vmem>>[vector<16xi32>], vector<16xf32>,
        %gather3A_229 = tpu.vector_load_idx %arg5[%get3A_203] : memref<100000xf32, #tpu.memory_space<vmem>>[vector<16xi32>], vector<16xf32>,
        %gather3A_230 = tpu.vector_load_idx %arg5[%get3A_207] : memref<100000xf32, #tpu.memory_space<vmem>>[vector<16xi32>], vector<16xf32>,
        %gather3A_231 = tpu.vector_load_idx %arg5[%get3A_211] : memref<100000xf32, #tpu.memory_space<vmem>>[vector<16xi32>], vector<16xf32>,
        %gather3A_232 = tpu.vector_load_idx %arg5[%get3A_215] : memref<100000xf32, #tpu.memory_space<vmem>>[vector<16xi32>], vector<16xf32>,
        %gather3A_233 = tpu.vector_load_idx %arg5[%get3A_219] : memref<100000xf32, #tpu.memory_space<vmem>>[vector<16xi32>], vector<16xf32>,
        %gather3A_234 = tpu.vector_load_idx %arg5[%get3A_223] : memref<100000xf32, #tpu.memory_space<vmem>>[vector<16xi32>], vector<16xf32>,
        %gather3A_235 = tpu.vector_load_idx %arg5[%get3A_227] : memref<100000xf32, #tpu.memory_space<vmem>>[vector<16xi32>], vector<16xf32>,
        %swap3A_236 = arith.index_cast %scan3A_191 : i32 to index
        %swap3A_237 = arith.constant 0 : index
        %swap3A_238 = tpu.vector_load %arg7[%swap3A_236, %swap3A_237] {strides = array<i32>} : memref<32x128xf32, #tpu.memory_space<vmem>>, vector<16xf32>,
        tpu.vector_store %arg7[%swap3A_236, %swap3A_237], %gather3A_228 {strides = array<i32>} : memref<32x128xf32, #tpu.memory_space<vmem>>, vector<16xf32>,
        %swap3A_239 = arith.index_cast %scan3A_191 : i32 to index
        %swap3A_240 = arith.constant 16 : index
        %swap3A_241 = tpu.vector_load %arg7[%swap3A_239, %swap3A_240] {strides = array<i32>} : memref<32x128xf32, #tpu.memory_space<vmem>>, vector<16xf32>,
        tpu.vector_store %arg7[%swap3A_239, %swap3A_240], %gather3A_229 {strides = array<i32>} : memref<32x128xf32, #tpu.memory_space<vmem>>, vector<16xf32>,
        %swap3A_242 = arith.index_cast %scan3A_191 : i32 to index
        %swap3A_243 = arith.constant 32 : index
        %swap3A_244 = tpu.vector_load %arg7[%swap3A_242, %swap3A_243] {strides = array<i32>} : memref<32x128xf32, #tpu.memory_space<vmem>>, vector<16xf32>,
        tpu.vector_store %arg7[%swap3A_242, %swap3A_243], %gather3A_230 {strides = array<i32>} : memref<32x128xf32, #tpu.memory_space<vmem>>, vector<16xf32>,
        %swap3A_245 = arith.index_cast %scan3A_191 : i32 to index
        %swap3A_246 = arith.constant 48 : index
        %swap3A_247 = tpu.vector_load %arg7[%swap3A_245, %swap3A_246] {strides = array<i32>} : memref<32x128xf32, #tpu.memory_space<vmem>>, vector<16xf32>,
        tpu.vector_store %arg7[%swap3A_245, %swap3A_246], %gather3A_231 {strides = array<i32>} : memref<32x128xf32, #tpu.memory_space<vmem>>, vector<16xf32>,
        %swap3A_248 = arith.index_cast %scan3A_191 : i32 to index
        %swap3A_249 = arith.constant 64 : index
        %swap3A_250 = tpu.vector_load %arg7[%swap3A_248, %swap3A_249] {strides = array<i32>} : memref<32x128xf32, #tpu.memory_space<vmem>>, vector<16xf32>,
        tpu.vector_store %arg7[%swap3A_248, %swap3A_249], %gather3A_232 {strides = array<i32>} : memref<32x128xf32, #tpu.memory_space<vmem>>, vector<16xf32>,
        %swap3A_251 = arith.index_cast %scan3A_191 : i32 to index
        %swap3A_252 = arith.constant 80 : index
        %swap3A_253 = tpu.vector_load %arg7[%swap3A_251, %swap3A_252] {strides = array<i32>} : memref<32x128xf32, #tpu.memory_space<vmem>>, vector<16xf32>,
        tpu.vector_store %arg7[%swap3A_251, %swap3A_252], %gather3A_233 {strides = array<i32>} : memref<32x128xf32, #tpu.memory_space<vmem>>, vector<16xf32>,
        %swap3A_254 = arith.index_cast %scan3A_191 : i32 to index
        %swap3A_255 = arith.constant 96 : index
        %swap3A_256 = tpu.vector_load %arg7[%swap3A_254, %swap3A_255] {strides = array<i32>} : memref<32x128xf32, #tpu.memory_space<vmem>>, vector<16xf32>,
        tpu.vector_store %arg7[%swap3A_254, %swap3A_255], %gather3A_234 {strides = array<i32>} : memref<32x128xf32, #tpu.memory_space<vmem>>, vector<16xf32>,
        %swap3A_257 = arith.index_cast %scan3A_191 : i32 to index
        %swap3A_258 = arith.constant 112 : index
        %swap3A_259 = tpu.vector_load %arg7[%swap3A_257, %swap3A_258] {strides = array<i32>} : memref<32x128xf32, #tpu.memory_space<vmem>>, vector<16xf32>,
        tpu.vector_store %arg7[%swap3A_257, %swap3A_258], %gather3A_235 {strides = array<i32>} : memref<32x128xf32, #tpu.memory_space<vmem>>, vector<16xf32>,
      }
      %scan3A_94 = arith.constant 32 : i32
      %dma_start3A_95 = arith.constant 64 : i32
      %dma_start3A_96 = arith.constant 0 : i32
      %dma_start3A_97 = tpu.memref_slice %arg4[%dma_start3A_95, %add3A_26, %dma_start3A_96] : memref<128x832x128xf32, #tpu.memory_space<hbm>> -> memref<32x1x128xf32, #tpu.memory_space<hbm>>
      %dma_start3A_98 = tpu.memref_squeeze %dma_start3A_97 : memref<32x1x128xf32, #tpu.memory_space<hbm>> -> memref<32x128xf32, #tpu.memory_space<hbm>>
      %dma_start3A_99 = arith.constant 64 : i32
      %dma_start3A_100 = arith.constant 0 : i32
      %dma_start3A_101 = tpu.memref_slice %arg4[%dma_start3A_99, %add3A_26, %dma_start3A_100] : memref<128x832x128xf32, #tpu.memory_space<hbm>> -> memref<32x1x128xf32, #tpu.memory_space<hbm>>
      %dma_start3A_102 = tpu.memref_squeeze %dma_start3A_101 : memref<32x1x128xf32, #tpu.memory_space<hbm>> -> memref<32x128xf32, #tpu.memory_space<hbm>>
      tpu.enqueue_dma source(%arg7 : memref<32x128xf32, #tpu.memory_space<vmem>>) target(%dma_start3A_102 : memref<32x128xf32, #tpu.memory_space<hbm>>) target_semaphore(%arg11 : memref<!tpu.dma_semaphore, #tpu.memory_space<semaphore_mem>>)
      %gt3A_103 = arith.constant 0 : i32
      %gt3A_104 = arith.cmpi sgt, %scan3A_23, %gt3A_103 : i32
      %or3A_105 = arith.constant true
      %or3A_106 = arith.ori %gt3A_104, %or3A_105 : i1
      %convert_element_type3A_107 = arith.extui %or3A_106 : i1 to i32
      %cond3A_108 = arith.constant 0 : i32
      %cond3A_109 = arith.cmpi ne, %convert_element_type3A_107, %cond3A_108 : i32
      scf.if %cond3A_109 {
        %dma_wait3A_124 = arith.constant 96 : i32
        %dma_wait3A_125 = arith.constant 0 : i32
        %dma_wait3A_126 = tpu.memref_slice %arg4[%dma_wait3A_124, %add3A_26, %dma_wait3A_125] : memref<128x832x128xf32, #tpu.memory_space<hbm>> -> memref<32x1x128xf32, #tpu.memory_space<hbm>>
        %dma_wait3A_127 = tpu.memref_squeeze %dma_wait3A_126 : memref<32x1x128xf32, #tpu.memory_space<hbm>> -> memref<32x128xf32, #tpu.memory_space<hbm>>
        %dma_wait3A_128 = arith.constant 96 : i32
        %dma_wait3A_129 = arith.constant 0 : i32
        %dma_wait3A_130 = tpu.memref_slice %arg4[%dma_wait3A_128, %add3A_26, %dma_wait3A_129] : memref<128x832x128xf32, #tpu.memory_space<hbm>> -> memref<32x1x128xf32, #tpu.memory_space<hbm>>
        %dma_wait3A_131 = tpu.memref_squeeze %dma_wait3A_130 : memref<32x1x128xf32, #tpu.memory_space<hbm>> -> memref<32x128xf32, #tpu.memory_space<hbm>>
        tpu.wait_dma2 semaphore(%arg12 : memref<!tpu.dma_semaphore, #tpu.memory_space<semaphore_mem>>) src(%arg8 : memref<32x128xf32, #tpu.memory_space<vmem>>) dst(%dma_wait3A_131 : memref<32x128xf32, #tpu.memory_space<hbm>>)
      } else {
      }
      %scan3A_110 = arith.constant 0 : i32
      %scan3A_111 = arith.constant 0 : i32
      %scan3A_112 = arith.constant 32 : i32
      %scan3A_113 = arith.addi %scan3A_111, %scan3A_112 : i32
      %scan3A_114 = arith.constant 2 : i32
      scf.for %scan3A_124 = %scan3A_111 to %scan3A_113 step %scan3A_114  : i32 {
        %mul3A_125 = arith.constant 128 : i32
        %mul3A_126 = arith.muli %scan3A_124, %mul3A_125 : i32
        %add3A_127 = arith.constant 12288 : i32
        %add3A_128 = arith.addi %add3A_127, %mul3A_126 : i32
        %add3A_129 = arith.constant 0 : i32
        %add3A_130 = arith.addi %add3A_128, %add3A_129 : i32
        %get3A = arith.index_cast %add3A_130 : i32 to index
        %get3A_131 = tpu.vector_load %arg6[%get3A] {strides = array<i32>} : memref<16384xi32, #tpu.memory_space<vmem>>, vector<16xi32>,
        %add3A_132 = arith.constant 16 : i32
        %add3A_133 = arith.addi %add3A_128, %add3A_132 : i32
        %get3A_134 = arith.index_cast %add3A_133 : i32 to index
        %get3A_135 = tpu.vector_load %arg6[%get3A_134] {strides = array<i32>} : memref<16384xi32, #tpu.memory_space<vmem>>, vector<16xi32>,
        %add3A_136 = arith.constant 32 : i32
        %add3A_137 = arith.addi %add3A_128, %add3A_136 : i32
        %get3A_138 = arith.index_cast %add3A_137 : i32 to index
        %get3A_139 = tpu.vector_load %arg6[%get3A_138] {strides = array<i32>} : memref<16384xi32, #tpu.memory_space<vmem>>, vector<16xi32>,
        %add3A_140 = arith.constant 48 : i32
        %add3A_141 = arith.addi %add3A_128, %add3A_140 : i32
        %get3A_142 = arith.index_cast %add3A_141 : i32 to index
        %get3A_143 = tpu.vector_load %arg6[%get3A_142] {strides = array<i32>} : memref<16384xi32, #tpu.memory_space<vmem>>, vector<16xi32>,
        %add3A_144 = arith.constant 64 : i32
        %add3A_145 = arith.addi %add3A_128, %add3A_144 : i32
        %get3A_146 = arith.index_cast %add3A_145 : i32 to index
        %get3A_147 = tpu.vector_load %arg6[%get3A_146] {strides = array<i32>} : memref<16384xi32, #tpu.memory_space<vmem>>, vector<16xi32>,
        %add3A_148 = arith.constant 80 : i32
        %add3A_149 = arith.addi %add3A_128, %add3A_148 : i32
        %get3A_150 = arith.index_cast %add3A_149 : i32 to index
        %get3A_151 = tpu.vector_load %arg6[%get3A_150] {strides = array<i32>} : memref<16384xi32, #tpu.memory_space<vmem>>, vector<16xi32>,
        %add3A_152 = arith.constant 96 : i32
        %add3A_153 = arith.addi %add3A_128, %add3A_152 : i32
        %get3A_154 = arith.index_cast %add3A_153 : i32 to index
        %get3A_155 = tpu.vector_load %arg6[%get3A_154] {strides = array<i32>} : memref<16384xi32, #tpu.memory_space<vmem>>, vector<16xi32>,
        %add3A_156 = arith.constant 112 : i32
        %add3A_157 = arith.addi %add3A_128, %add3A_156 : i32
        %get3A_158 = arith.index_cast %add3A_157 : i32 to index
        %get3A_159 = tpu.vector_load %arg6[%get3A_158] {strides = array<i32>} : memref<16384xi32, #tpu.memory_space<vmem>>, vector<16xi32>,
        %gather3A = tpu.vector_load_idx %arg5[%get3A_131] : memref<100000xf32, #tpu.memory_space<vmem>>[vector<16xi32>], vector<16xf32>,
        %gather3A_160 = tpu.vector_load_idx %arg5[%get3A_135] : memref<100000xf32, #tpu.memory_space<vmem>>[vector<16xi32>], vector<16xf32>,
        %gather3A_161 = tpu.vector_load_idx %arg5[%get3A_139] : memref<100000xf32, #tpu.memory_space<vmem>>[vector<16xi32>], vector<16xf32>,
        %gather3A_162 = tpu.vector_load_idx %arg5[%get3A_143] : memref<100000xf32, #tpu.memory_space<vmem>>[vector<16xi32>], vector<16xf32>,
        %gather3A_163 = tpu.vector_load_idx %arg5[%get3A_147] : memref<100000xf32, #tpu.memory_space<vmem>>[vector<16xi32>], vector<16xf32>,
        %gather3A_164 = tpu.vector_load_idx %arg5[%get3A_151] : memref<100000xf32, #tpu.memory_space<vmem>>[vector<16xi32>], vector<16xf32>,
        %gather3A_165 = tpu.vector_load_idx %arg5[%get3A_155] : memref<100000xf32, #tpu.memory_space<vmem>>[vector<16xi32>], vector<16xf32>,
        %gather3A_166 = tpu.vector_load_idx %arg5[%get3A_159] : memref<100000xf32, #tpu.memory_space<vmem>>[vector<16xi32>], vector<16xf32>,
        %swap3A = arith.index_cast %scan3A_124 : i32 to index
        %swap3A_167 = arith.constant 0 : index
        %swap3A_168 = tpu.vector_load %arg8[%swap3A, %swap3A_167] {strides = array<i32>} : memref<32x128xf32, #tpu.memory_space<vmem>>, vector<16xf32>,
        tpu.vector_store %arg8[%swap3A, %swap3A_167], %gather3A {strides = array<i32>} : memref<32x128xf32, #tpu.memory_space<vmem>>, vector<16xf32>,
        %swap3A_169 = arith.index_cast %scan3A_124 : i32 to index
        %swap3A_170 = arith.constant 16 : index
        %swap3A_171 = tpu.vector_load %arg8[%swap3A_169, %swap3A_170] {strides = array<i32>} : memref<32x128xf32, #tpu.memory_space<vmem>>, vector<16xf32>,
        tpu.vector_store %arg8[%swap3A_169, %swap3A_170], %gather3A_160 {strides = array<i32>} : memref<32x128xf32, #tpu.memory_space<vmem>>, vector<16xf32>,
        %swap3A_172 = arith.index_cast %scan3A_124 : i32 to index
        %swap3A_173 = arith.constant 32 : index
        %swap3A_174 = tpu.vector_load %arg8[%swap3A_172, %swap3A_173] {strides = array<i32>} : memref<32x128xf32, #tpu.memory_space<vmem>>, vector<16xf32>,
        tpu.vector_store %arg8[%swap3A_172, %swap3A_173], %gather3A_161 {strides = array<i32>} : memref<32x128xf32, #tpu.memory_space<vmem>>, vector<16xf32>,
        %swap3A_175 = arith.index_cast %scan3A_124 : i32 to index
        %swap3A_176 = arith.constant 48 : index
        %swap3A_177 = tpu.vector_load %arg8[%swap3A_175, %swap3A_176] {strides = array<i32>} : memref<32x128xf32, #tpu.memory_space<vmem>>, vector<16xf32>,
        tpu.vector_store %arg8[%swap3A_175, %swap3A_176], %gather3A_162 {strides = array<i32>} : memref<32x128xf32, #tpu.memory_space<vmem>>, vector<16xf32>,
        %swap3A_178 = arith.index_cast %scan3A_124 : i32 to index
        %swap3A_179 = arith.constant 64 : index
        %swap3A_180 = tpu.vector_load %arg8[%swap3A_178, %swap3A_179] {strides = array<i32>} : memref<32x128xf32, #tpu.memory_space<vmem>>, vector<16xf32>,
        tpu.vector_store %arg8[%swap3A_178, %swap3A_179], %gather3A_163 {strides = array<i32>} : memref<32x128xf32, #tpu.memory_space<vmem>>, vector<16xf32>,
        %swap3A_181 = arith.index_cast %scan3A_124 : i32 to index
        %swap3A_182 = arith.constant 80 : index
        %swap3A_183 = tpu.vector_load %arg8[%swap3A_181, %swap3A_182] {strides = array<i32>} : memref<32x128xf32, #tpu.memory_space<vmem>>, vector<16xf32>,
        tpu.vector_store %arg8[%swap3A_181, %swap3A_182], %gather3A_164 {strides = array<i32>} : memref<32x128xf32, #tpu.memory_space<vmem>>, vector<16xf32>,
        %swap3A_184 = arith.index_cast %scan3A_124 : i32 to index
        %swap3A_185 = arith.constant 96 : index
        %swap3A_186 = tpu.vector_load %arg8[%swap3A_184, %swap3A_185] {strides = array<i32>} : memref<32x128xf32, #tpu.memory_space<vmem>>, vector<16xf32>,
        tpu.vector_store %arg8[%swap3A_184, %swap3A_185], %gather3A_165 {strides = array<i32>} : memref<32x128xf32, #tpu.memory_space<vmem>>, vector<16xf32>,
        %swap3A_187 = arith.index_cast %scan3A_124 : i32 to index
        %swap3A_188 = arith.constant 112 : index
        %swap3A_189 = tpu.vector_load %arg8[%swap3A_187, %swap3A_188] {strides = array<i32>} : memref<32x128xf32, #tpu.memory_space<vmem>>, vector<16xf32>,
        tpu.vector_store %arg8[%swap3A_187, %swap3A_188], %gather3A_166 {strides = array<i32>} : memref<32x128xf32, #tpu.memory_space<vmem>>, vector<16xf32>,
        %scan3A_190 = arith.constant 1 : i32
        %scan3A_191 = arith.addi %scan3A_124, %scan3A_190 : i32
        %mul3A_192 = arith.constant 128 : i32
        %mul3A_193 = arith.muli %scan3A_191, %mul3A_192 : i32
        %add3A_194 = arith.constant 12288 : i32
        %add3A_195 = arith.addi %add3A_194, %mul3A_193 : i32
        %add3A_196 = arith.constant 0 : i32
        %add3A_197 = arith.addi %add3A_195, %add3A_196 : i32
        %get3A_198 = arith.index_cast %add3A_197 : i32 to index
        %get3A_199 = tpu.vector_load %arg6[%get3A_198] {strides = array<i32>} : memref<16384xi32, #tpu.memory_space<vmem>>, vector<16xi32>,
        %add3A_200 = arith.constant 16 : i32
        %add3A_201 = arith.addi %add3A_195, %add3A_200 : i32
        %get3A_202 = arith.index_cast %add3A_201 : i32 to index
        %get3A_203 = tpu.vector_load %arg6[%get3A_202] {strides = array<i32>} : memref<16384xi32, #tpu.memory_space<vmem>>, vector<16xi32>,
        %add3A_204 = arith.constant 32 : i32
        %add3A_205 = arith.addi %add3A_195, %add3A_204 : i32
        %get3A_206 = arith.index_cast %add3A_205 : i32 to index
        %get3A_207 = tpu.vector_load %arg6[%get3A_206] {strides = array<i32>} : memref<16384xi32, #tpu.memory_space<vmem>>, vector<16xi32>,
        %add3A_208 = arith.constant 48 : i32
        %add3A_209 = arith.addi %add3A_195, %add3A_208 : i32
        %get3A_210 = arith.index_cast %add3A_209 : i32 to index
        %get3A_211 = tpu.vector_load %arg6[%get3A_210] {strides = array<i32>} : memref<16384xi32, #tpu.memory_space<vmem>>, vector<16xi32>,
        %add3A_212 = arith.constant 64 : i32
        %add3A_213 = arith.addi %add3A_195, %add3A_212 : i32
        %get3A_214 = arith.index_cast %add3A_213 : i32 to index
        %get3A_215 = tpu.vector_load %arg6[%get3A_214] {strides = array<i32>} : memref<16384xi32, #tpu.memory_space<vmem>>, vector<16xi32>,
        %add3A_216 = arith.constant 80 : i32
        %add3A_217 = arith.addi %add3A_195, %add3A_216 : i32
        %get3A_218 = arith.index_cast %add3A_217 : i32 to index
        %get3A_219 = tpu.vector_load %arg6[%get3A_218] {strides = array<i32>} : memref<16384xi32, #tpu.memory_space<vmem>>, vector<16xi32>,
        %add3A_220 = arith.constant 96 : i32
        %add3A_221 = arith.addi %add3A_195, %add3A_220 : i32
        %get3A_222 = arith.index_cast %add3A_221 : i32 to index
        %get3A_223 = tpu.vector_load %arg6[%get3A_222] {strides = array<i32>} : memref<16384xi32, #tpu.memory_space<vmem>>, vector<16xi32>,
        %add3A_224 = arith.constant 112 : i32
        %add3A_225 = arith.addi %add3A_195, %add3A_224 : i32
        %get3A_226 = arith.index_cast %add3A_225 : i32 to index
        %get3A_227 = tpu.vector_load %arg6[%get3A_226] {strides = array<i32>} : memref<16384xi32, #tpu.memory_space<vmem>>, vector<16xi32>,
        %gather3A_228 = tpu.vector_load_idx %arg5[%get3A_199] : memref<100000xf32, #tpu.memory_space<vmem>>[vector<16xi32>], vector<16xf32>,
        %gather3A_229 = tpu.vector_load_idx %arg5[%get3A_203] : memref<100000xf32, #tpu.memory_space<vmem>>[vector<16xi32>], vector<16xf32>,
        %gather3A_230 = tpu.vector_load_idx %arg5[%get3A_207] : memref<100000xf32, #tpu.memory_space<vmem>>[vector<16xi32>], vector<16xf32>,
        %gather3A_231 = tpu.vector_load_idx %arg5[%get3A_211] : memref<100000xf32, #tpu.memory_space<vmem>>[vector<16xi32>], vector<16xf32>,
        %gather3A_232 = tpu.vector_load_idx %arg5[%get3A_215] : memref<100000xf32, #tpu.memory_space<vmem>>[vector<16xi32>], vector<16xf32>,
        %gather3A_233 = tpu.vector_load_idx %arg5[%get3A_219] : memref<100000xf32, #tpu.memory_space<vmem>>[vector<16xi32>], vector<16xf32>,
        %gather3A_234 = tpu.vector_load_idx %arg5[%get3A_223] : memref<100000xf32, #tpu.memory_space<vmem>>[vector<16xi32>], vector<16xf32>,
        %gather3A_235 = tpu.vector_load_idx %arg5[%get3A_227] : memref<100000xf32, #tpu.memory_space<vmem>>[vector<16xi32>], vector<16xf32>,
        %swap3A_236 = arith.index_cast %scan3A_191 : i32 to index
        %swap3A_237 = arith.constant 0 : index
        %swap3A_238 = tpu.vector_load %arg8[%swap3A_236, %swap3A_237] {strides = array<i32>} : memref<32x128xf32, #tpu.memory_space<vmem>>, vector<16xf32>,
        tpu.vector_store %arg8[%swap3A_236, %swap3A_237], %gather3A_228 {strides = array<i32>} : memref<32x128xf32, #tpu.memory_space<vmem>>, vector<16xf32>,
        %swap3A_239 = arith.index_cast %scan3A_191 : i32 to index
        %swap3A_240 = arith.constant 16 : index
        %swap3A_241 = tpu.vector_load %arg8[%swap3A_239, %swap3A_240] {strides = array<i32>} : memref<32x128xf32, #tpu.memory_space<vmem>>, vector<16xf32>,
        tpu.vector_store %arg8[%swap3A_239, %swap3A_240], %gather3A_229 {strides = array<i32>} : memref<32x128xf32, #tpu.memory_space<vmem>>, vector<16xf32>,
        %swap3A_242 = arith.index_cast %scan3A_191 : i32 to index
        %swap3A_243 = arith.constant 32 : index
        %swap3A_244 = tpu.vector_load %arg8[%swap3A_242, %swap3A_243] {strides = array<i32>} : memref<32x128xf32, #tpu.memory_space<vmem>>, vector<16xf32>,
        tpu.vector_store %arg8[%swap3A_242, %swap3A_243], %gather3A_230 {strides = array<i32>} : memref<32x128xf32, #tpu.memory_space<vmem>>, vector<16xf32>,
        %swap3A_245 = arith.index_cast %scan3A_191 : i32 to index
        %swap3A_246 = arith.constant 48 : index
        %swap3A_247 = tpu.vector_load %arg8[%swap3A_245, %swap3A_246] {strides = array<i32>} : memref<32x128xf32, #tpu.memory_space<vmem>>, vector<16xf32>,
        tpu.vector_store %arg8[%swap3A_245, %swap3A_246], %gather3A_231 {strides = array<i32>} : memref<32x128xf32, #tpu.memory_space<vmem>>, vector<16xf32>,
        %swap3A_248 = arith.index_cast %scan3A_191 : i32 to index
        %swap3A_249 = arith.constant 64 : index
        %swap3A_250 = tpu.vector_load %arg8[%swap3A_248, %swap3A_249] {strides = array<i32>} : memref<32x128xf32, #tpu.memory_space<vmem>>, vector<16xf32>,
        tpu.vector_store %arg8[%swap3A_248, %swap3A_249], %gather3A_232 {strides = array<i32>} : memref<32x128xf32, #tpu.memory_space<vmem>>, vector<16xf32>,
        %swap3A_251 = arith.index_cast %scan3A_191 : i32 to index
        %swap3A_252 = arith.constant 80 : index
        %swap3A_253 = tpu.vector_load %arg8[%swap3A_251, %swap3A_252] {strides = array<i32>} : memref<32x128xf32, #tpu.memory_space<vmem>>, vector<16xf32>,
        tpu.vector_store %arg8[%swap3A_251, %swap3A_252], %gather3A_233 {strides = array<i32>} : memref<32x128xf32, #tpu.memory_space<vmem>>, vector<16xf32>,
        %swap3A_254 = arith.index_cast %scan3A_191 : i32 to index
        %swap3A_255 = arith.constant 96 : index
        %swap3A_256 = tpu.vector_load %arg8[%swap3A_254, %swap3A_255] {strides = array<i32>} : memref<32x128xf32, #tpu.memory_space<vmem>>, vector<16xf32>,
        tpu.vector_store %arg8[%swap3A_254, %swap3A_255], %gather3A_234 {strides = array<i32>} : memref<32x128xf32, #tpu.memory_space<vmem>>, vector<16xf32>,
        %swap3A_257 = arith.index_cast %scan3A_191 : i32 to index
        %swap3A_258 = arith.constant 112 : index
        %swap3A_259 = tpu.vector_load %arg8[%swap3A_257, %swap3A_258] {strides = array<i32>} : memref<32x128xf32, #tpu.memory_space<vmem>>, vector<16xf32>,
        tpu.vector_store %arg8[%swap3A_257, %swap3A_258], %gather3A_235 {strides = array<i32>} : memref<32x128xf32, #tpu.memory_space<vmem>>, vector<16xf32>,
      }
      %scan3A_115 = arith.constant 32 : i32
      %dma_start3A_116 = arith.constant 96 : i32
      %dma_start3A_117 = arith.constant 0 : i32
      %dma_start3A_118 = tpu.memref_slice %arg4[%dma_start3A_116, %add3A_26, %dma_start3A_117] : memref<128x832x128xf32, #tpu.memory_space<hbm>> -> memref<32x1x128xf32, #tpu.memory_space<hbm>>
      %dma_start3A_119 = tpu.memref_squeeze %dma_start3A_118 : memref<32x1x128xf32, #tpu.memory_space<hbm>> -> memref<32x128xf32, #tpu.memory_space<hbm>>
      %dma_start3A_120 = arith.constant 96 : i32
      %dma_start3A_121 = arith.constant 0 : i32
      %dma_start3A_122 = tpu.memref_slice %arg4[%dma_start3A_120, %add3A_26, %dma_start3A_121] : memref<128x832x128xf32, #tpu.memory_space<hbm>> -> memref<32x1x128xf32, #tpu.memory_space<hbm>>
      %dma_start3A_123 = tpu.memref_squeeze %dma_start3A_122 : memref<32x1x128xf32, #tpu.memory_space<hbm>> -> memref<32x128xf32, #tpu.memory_space<hbm>>
      tpu.enqueue_dma source(%arg8 : memref<32x128xf32, #tpu.memory_space<vmem>>) target(%dma_start3A_123 : memref<32x128xf32, #tpu.memory_space<hbm>>) target_semaphore(%arg12 : memref<!tpu.dma_semaphore, #tpu.memory_space<semaphore_mem>>)
    }
    %scan3A_5 = arith.constant 26 : i32
    %add3A_6 = arith.constant 800 : i32
    %add3A_7 = arith.addi %add3A_6, %add3A : i32
    %dma_wait3A = arith.constant 64 : i32
    %dma_wait3A_8 = arith.constant 0 : i32
    %dma_wait3A_9 = tpu.memref_slice %arg4[%dma_wait3A, %add3A_7, %dma_wait3A_8] : memref<128x832x128xf32, #tpu.memory_space<hbm>> -> memref<32x1x128xf32, #tpu.memory_space<hbm>>
    %dma_wait3A_10 = tpu.memref_squeeze %dma_wait3A_9 : memref<32x1x128xf32, #tpu.memory_space<hbm>> -> memref<32x128xf32, #tpu.memory_space<hbm>>
    %dma_wait3A_11 = arith.constant 64 : i32
    %dma_wait3A_12 = arith.constant 0 : i32
    %dma_wait3A_13 = tpu.memref_slice %arg4[%dma_wait3A_11, %add3A_7, %dma_wait3A_12] : memref<128x832x128xf32, #tpu.memory_space<hbm>> -> memref<32x1x128xf32, #tpu.memory_space<hbm>>
    %dma_wait3A_14 = tpu.memref_squeeze %dma_wait3A_13 : memref<32x1x128xf32, #tpu.memory_space<hbm>> -> memref<32x128xf32, #tpu.memory_space<hbm>>
    tpu.wait_dma2 semaphore(%arg11 : memref<!tpu.dma_semaphore, #tpu.memory_space<semaphore_mem>>) src(%arg7 : memref<32x128xf32, #tpu.memory_space<vmem>>) dst(%dma_wait3A_14 : memref<32x128xf32, #tpu.memory_space<hbm>>)
    %dma_wait3A_15 = arith.constant 96 : i32
    %dma_wait3A_16 = arith.constant 0 : i32
    %dma_wait3A_17 = tpu.memref_slice %arg4[%dma_wait3A_15, %add3A_7, %dma_wait3A_16] : memref<128x832x128xf32, #tpu.memory_space<hbm>> -> memref<32x1x128xf32, #tpu.memory_space<hbm>>
    %dma_wait3A_18 = tpu.memref_squeeze %dma_wait3A_17 : memref<32x1x128xf32, #tpu.memory_space<hbm>> -> memref<32x128xf32, #tpu.memory_space<hbm>>
    %dma_wait3A_19 = arith.constant 96 : i32
    %dma_wait3A_20 = arith.constant 0 : i32
    %dma_wait3A_21 = tpu.memref_slice %arg4[%dma_wait3A_19, %add3A_7, %dma_wait3A_20] : memref<128x832x128xf32, #tpu.memory_space<hbm>> -> memref<32x1x128xf32, #tpu.memory_space<hbm>>
    %dma_wait3A_22 = tpu.memref_squeeze %dma_wait3A_21 : memref<32x1x128xf32, #tpu.memory_space<hbm>> -> memref<32x128xf32, #tpu.memory_space<hbm>>
    tpu.wait_dma2 semaphore(%arg12 : memref<!tpu.dma_semaphore, #tpu.memory_space<semaphore_mem>>) src(%arg8 : memref<32x128xf32, #tpu.memory_space<vmem>>) dst(%dma_wait3A_22 : memref<32x128xf32, #tpu.memory_space<hbm>>)
    return
  }
}

module attributes {stable_mosaic.version = 14 : i64} {
  func.func @body(%arg0: i32, %arg1: memref<4x832x128xf32, #tpu.memory_space<vmem>>, %arg2: memref<4x13x128xf32, #tpu.memory_space<vmem>>, %arg3: memref<512x832xbf16, #tpu.memory_space<vmem>>, %arg4: memref<512x13xf32, #tpu.memory_space<vmem>>, %arg5: memref<512x1xf32, #tpu.memory_space<vmem>>, %arg6: memref<256x512xf32, #tpu.memory_space<vmem>>, %arg7: memref<256x1xf32, #tpu.memory_space<vmem>>, %arg8: memref<1x256xf32, #tpu.memory_space<vmem>>, %arg9: memref<1x1xf32, #tpu.memory_space<vmem>>, %arg10: memref<1x4x128xf32, #tpu.memory_space<vmem>>) attributes {dimension_semantics = [#tpu.dimension_semantics<arbitrary>], iteration_bounds = array<i64: 32>, scalar_prefetch = 0 : i64, scratch_operands = 0 : i64, tpu.core_type = #tpu.core_type<tc>, window_params = [{transform_indices = @transform_0, window_bounds = array<i64: 4, 832, 128>}, {transform_indices = @transform_1, window_bounds = array<i64: 4, 13, 128>}, {pipeline_mode = #tpu.pipeline_mode<synchronous>, transform_indices = @transform_2, window_bounds = array<i64: 512, 832>}, {pipeline_mode = #tpu.pipeline_mode<synchronous>, transform_indices = @transform_3, window_bounds = array<i64: 512, 13>}, {pipeline_mode = #tpu.pipeline_mode<synchronous>, transform_indices = @transform_4, window_bounds = array<i64: 512, 1>}, {pipeline_mode = #tpu.pipeline_mode<synchronous>, transform_indices = @transform_5, window_bounds = array<i64: 256, 512>}, {pipeline_mode = #tpu.pipeline_mode<synchronous>, transform_indices = @transform_6, window_bounds = array<i64: 256, 1>}, {pipeline_mode = #tpu.pipeline_mode<synchronous>, transform_indices = @transform_7, window_bounds = array<i64: 1, 256>}, {pipeline_mode = #tpu.pipeline_mode<synchronous>, transform_indices = @transform_8, window_bounds = array<i64: 1, 1>}, {transform_indices = @transform_9, window_bounds = array<i64: 1, 4, 128>}]} {
    %get3A = arith.constant 0 : index
    %get3A_0 = arith.constant 0 : index
    %get3A_1 = arith.constant 0 : index
    %get3A_2 = vector.load %arg1[%get3A, %get3A_0, %get3A_1] : memref<4x832x128xf32, #tpu.memory_space<vmem>>, vector<1x832x128xf32>
    %get3A_3 = vector.shape_cast %get3A_2 : vector<1x832x128xf32> to vector<832x128xf32>
    %convert_element_type3A = arith.truncf %get3A_3 : vector<832x128xf32> to vector<832x128xbf16>
    %get3A_4 = arith.constant 0 : index
    %get3A_5 = arith.constant 0 : index
    %get3A_6 = vector.load %arg3[%get3A_4, %get3A_5] : memref<512x832xbf16, #tpu.memory_space<vmem>>, vector<512x832xbf16>
    %dot_general3A = arith.constant dense<0.000000e+00> : vector<512x128xf32>
    %dot_general3A_7 = tpu.matmul %get3A_6, %convert_element_type3A, %dot_general3A {dimension_numbers = #tpu.dot_dimension_numbers<[1], [0], [0], [1], [0, 0, 1, 1], [], []>, transpose_lhs_hint = false} : vector<512x832xbf16>, vector<832x128xbf16>, vector<512x128xf32> -> vector<512x128xf32>
    %get3A_8 = arith.constant 0 : index
    %get3A_9 = arith.constant 0 : index
    %get3A_10 = vector.load %arg4[%get3A_8, %get3A_9] : memref<512x13xf32, #tpu.memory_space<vmem>>, vector<512x13xf32>
    %get3A_11 = arith.constant 0 : index
    %get3A_12 = arith.constant 0 : index
    %get3A_13 = arith.constant 0 : index
    %get3A_14 = vector.load %arg2[%get3A_11, %get3A_12, %get3A_13] : memref<4x13x128xf32, #tpu.memory_space<vmem>>, vector<1x13x128xf32>
    %get3A_15 = vector.shape_cast %get3A_14 : vector<1x13x128xf32> to vector<13x128xf32>
    %dot_general3A_16 = arith.constant dense<0.000000e+00> : vector<512x128xf32>
    %dot_general3A_17 = tpu.matmul %get3A_10, %get3A_15, %dot_general3A_16 {dimension_numbers = #tpu.dot_dimension_numbers<[1], [0], [0], [1], [0, 0, 1, 1], [], []>, transpose_lhs_hint = false} : vector<512x13xf32>, vector<13x128xf32>, vector<512x128xf32> -> vector<512x128xf32>
    %add3A = arith.addf %dot_general3A_7, %dot_general3A_17 : vector<512x128xf32>
    %get3A_18 = arith.constant 0 : index
    %get3A_19 = arith.constant 0 : index
    %get3A_20 = vector.load %arg5[%get3A_18, %get3A_19] : memref<512x1xf32, #tpu.memory_space<vmem>>, vector<512x1xf32>
    %add3A_21 = vector.broadcast %get3A_20 : vector<512x1xf32> to vector<512x128xf32>
    %add3A_22 = arith.addf %add3A, %add3A_21 : vector<512x128xf32>
    %max3A = arith.constant 0.000000e+00 : f32
    %max3A_23 = vector.broadcast %max3A : f32 to vector<512x128xf32>
    %max3A_24 = arith.maximumf %add3A_22, %max3A_23 : vector<512x128xf32>
    %get3A_25 = arith.constant 0 : index
    %get3A_26 = arith.constant 0 : index
    %get3A_27 = vector.load %arg6[%get3A_25, %get3A_26] : memref<256x512xf32, #tpu.memory_space<vmem>>, vector<256x512xf32>
    %dot_general3A_28 = arith.constant dense<0.000000e+00> : vector<256x128xf32>
    %dot_general3A_29 = tpu.matmul %get3A_27, %max3A_24, %dot_general3A_28 {dimension_numbers = #tpu.dot_dimension_numbers<[1], [0], [0], [1], [0, 0, 1, 1], [], []>, transpose_lhs_hint = false} : vector<256x512xf32>, vector<512x128xf32>, vector<256x128xf32> -> vector<256x128xf32>
    %get3A_30 = arith.constant 0 : index
    %get3A_31 = arith.constant 0 : index
    %get3A_32 = vector.load %arg7[%get3A_30, %get3A_31] : memref<256x1xf32, #tpu.memory_space<vmem>>, vector<256x1xf32>
    %add3A_33 = vector.broadcast %get3A_32 : vector<256x1xf32> to vector<256x128xf32>
    %add3A_34 = arith.addf %dot_general3A_29, %add3A_33 : vector<256x128xf32>
    %max3A_35 = arith.constant 0.000000e+00 : f32
    %max3A_36 = vector.broadcast %max3A_35 : f32 to vector<256x128xf32>
    %max3A_37 = arith.maximumf %add3A_34, %max3A_36 : vector<256x128xf32>
    %get3A_38 = arith.constant 0 : index
    %get3A_39 = arith.constant 0 : index
    %get3A_40 = vector.load %arg8[%get3A_38, %get3A_39] : memref<1x256xf32, #tpu.memory_space<vmem>>, vector<1x256xf32>
    %dot_general3A_41 = arith.constant dense<0.000000e+00> : vector<1x128xf32>
    %dot_general3A_42 = tpu.matmul %get3A_40, %max3A_37, %dot_general3A_41 {dimension_numbers = #tpu.dot_dimension_numbers<[1], [0], [0], [1], [0, 0, 1, 1], [], []>, transpose_lhs_hint = false} : vector<1x256xf32>, vector<256x128xf32>, vector<1x128xf32> -> vector<1x128xf32>
    %get3A_43 = arith.constant 0 : index
    %get3A_44 = arith.constant 0 : index
    %get3A_45 = vector.load %arg9[%get3A_43, %get3A_44] : memref<1x1xf32, #tpu.memory_space<vmem>>, vector<1x1xf32>
    %add3A_46 = vector.broadcast %get3A_45 : vector<1x1xf32> to vector<1x128xf32>
    %add3A_47 = arith.addf %dot_general3A_42, %add3A_46 : vector<1x128xf32>
    %swap3A = arith.constant 0 : index
    %swap3A_48 = arith.constant 0 : index
    %swap3A_49 = arith.constant 0 : index
    %swap3A_50 = vector.load %arg10[%swap3A, %swap3A_48, %swap3A_49] : memref<1x4x128xf32, #tpu.memory_space<vmem>>, vector<1x1x128xf32>
    %swap3A_51 = vector.shape_cast %swap3A_50 : vector<1x1x128xf32> to vector<1x128xf32>
    %swap3A_52 = vector.shape_cast %add3A_47 : vector<1x128xf32> to vector<1x1x128xf32>
    tpu.vector_store %arg10[%swap3A, %swap3A_48, %swap3A_49], %swap3A_52 {strides = array<i32>} : memref<1x4x128xf32, #tpu.memory_space<vmem>>, vector<1x1x128xf32>,
    %get3A_53 = arith.constant 1 : index
    %get3A_54 = arith.constant 0 : index
    %get3A_55 = arith.constant 0 : index
    %get3A_56 = vector.load %arg1[%get3A_53, %get3A_54, %get3A_55] : memref<4x832x128xf32, #tpu.memory_space<vmem>>, vector<1x832x128xf32>
    %get3A_57 = vector.shape_cast %get3A_56 : vector<1x832x128xf32> to vector<832x128xf32>
    %convert_element_type3A_58 = arith.truncf %get3A_57 : vector<832x128xf32> to vector<832x128xbf16>
    %get3A_59 = arith.constant 0 : index
    %get3A_60 = arith.constant 0 : index
    %get3A_61 = vector.load %arg3[%get3A_59, %get3A_60] : memref<512x832xbf16, #tpu.memory_space<vmem>>, vector<512x832xbf16>
    %dot_general3A_62 = arith.constant dense<0.000000e+00> : vector<512x128xf32>
    %dot_general3A_63 = tpu.matmul %get3A_61, %convert_element_type3A_58, %dot_general3A_62 {dimension_numbers = #tpu.dot_dimension_numbers<[1], [0], [0], [1], [0, 0, 1, 1], [], []>, transpose_lhs_hint = false} : vector<512x832xbf16>, vector<832x128xbf16>, vector<512x128xf32> -> vector<512x128xf32>
    %get3A_64 = arith.constant 0 : index
    %get3A_65 = arith.constant 0 : index
    %get3A_66 = vector.load %arg4[%get3A_64, %get3A_65] : memref<512x13xf32, #tpu.memory_space<vmem>>, vector<512x13xf32>
    %get3A_67 = arith.constant 1 : index
    %get3A_68 = arith.constant 0 : index
    %get3A_69 = arith.constant 0 : index
    %get3A_70 = vector.load %arg2[%get3A_67, %get3A_68, %get3A_69] : memref<4x13x128xf32, #tpu.memory_space<vmem>>, vector<1x13x128xf32>
    %get3A_71 = vector.shape_cast %get3A_70 : vector<1x13x128xf32> to vector<13x128xf32>
    %dot_general3A_72 = arith.constant dense<0.000000e+00> : vector<512x128xf32>
    %dot_general3A_73 = tpu.matmul %get3A_66, %get3A_71, %dot_general3A_72 {dimension_numbers = #tpu.dot_dimension_numbers<[1], [0], [0], [1], [0, 0, 1, 1], [], []>, transpose_lhs_hint = false} : vector<512x13xf32>, vector<13x128xf32>, vector<512x128xf32> -> vector<512x128xf32>
    %add3A_74 = arith.addf %dot_general3A_63, %dot_general3A_73 : vector<512x128xf32>
    %get3A_75 = arith.constant 0 : index
    %get3A_76 = arith.constant 0 : index
    %get3A_77 = vector.load %arg5[%get3A_75, %get3A_76] : memref<512x1xf32, #tpu.memory_space<vmem>>, vector<512x1xf32>
    %add3A_78 = vector.broadcast %get3A_77 : vector<512x1xf32> to vector<512x128xf32>
    %add3A_79 = arith.addf %add3A_74, %add3A_78 : vector<512x128xf32>
    %max3A_80 = arith.constant 0.000000e+00 : f32
    %max3A_81 = vector.broadcast %max3A_80 : f32 to vector<512x128xf32>
    %max3A_82 = arith.maximumf %add3A_79, %max3A_81 : vector<512x128xf32>
    %get3A_83 = arith.constant 0 : index
    %get3A_84 = arith.constant 0 : index
    %get3A_85 = vector.load %arg6[%get3A_83, %get3A_84] : memref<256x512xf32, #tpu.memory_space<vmem>>, vector<256x512xf32>
    %dot_general3A_86 = arith.constant dense<0.000000e+00> : vector<256x128xf32>
    %dot_general3A_87 = tpu.matmul %get3A_85, %max3A_82, %dot_general3A_86 {dimension_numbers = #tpu.dot_dimension_numbers<[1], [0], [0], [1], [0, 0, 1, 1], [], []>, transpose_lhs_hint = false} : vector<256x512xf32>, vector<512x128xf32>, vector<256x128xf32> -> vector<256x128xf32>
    %get3A_88 = arith.constant 0 : index
    %get3A_89 = arith.constant 0 : index
    %get3A_90 = vector.load %arg7[%get3A_88, %get3A_89] : memref<256x1xf32, #tpu.memory_space<vmem>>, vector<256x1xf32>
    %add3A_91 = vector.broadcast %get3A_90 : vector<256x1xf32> to vector<256x128xf32>
    %add3A_92 = arith.addf %dot_general3A_87, %add3A_91 : vector<256x128xf32>
    %max3A_93 = arith.constant 0.000000e+00 : f32
    %max3A_94 = vector.broadcast %max3A_93 : f32 to vector<256x128xf32>
    %max3A_95 = arith.maximumf %add3A_92, %max3A_94 : vector<256x128xf32>
    %get3A_96 = arith.constant 0 : index
    %get3A_97 = arith.constant 0 : index
    %get3A_98 = vector.load %arg8[%get3A_96, %get3A_97] : memref<1x256xf32, #tpu.memory_space<vmem>>, vector<1x256xf32>
    %dot_general3A_99 = arith.constant dense<0.000000e+00> : vector<1x128xf32>
    %dot_general3A_100 = tpu.matmul %get3A_98, %max3A_95, %dot_general3A_99 {dimension_numbers = #tpu.dot_dimension_numbers<[1], [0], [0], [1], [0, 0, 1, 1], [], []>, transpose_lhs_hint = false} : vector<1x256xf32>, vector<256x128xf32>, vector<1x128xf32> -> vector<1x128xf32>
    %get3A_101 = arith.constant 0 : index
    %get3A_102 = arith.constant 0 : index
    %get3A_103 = vector.load %arg9[%get3A_101, %get3A_102] : memref<1x1xf32, #tpu.memory_space<vmem>>, vector<1x1xf32>
    %add3A_104 = vector.broadcast %get3A_103 : vector<1x1xf32> to vector<1x128xf32>
    %add3A_105 = arith.addf %dot_general3A_100, %add3A_104 : vector<1x128xf32>
    %swap3A_106 = arith.constant 0 : index
    %swap3A_107 = arith.constant 1 : index
    %swap3A_108 = arith.constant 0 : index
    %swap3A_109 = vector.load %arg10[%swap3A_106, %swap3A_107, %swap3A_108] : memref<1x4x128xf32, #tpu.memory_space<vmem>>, vector<1x1x128xf32>
    %swap3A_110 = vector.shape_cast %swap3A_109 : vector<1x1x128xf32> to vector<1x128xf32>
    %swap3A_111 = vector.shape_cast %add3A_105 : vector<1x128xf32> to vector<1x1x128xf32>
    tpu.vector_store %arg10[%swap3A_106, %swap3A_107, %swap3A_108], %swap3A_111 {strides = array<i32>} : memref<1x4x128xf32, #tpu.memory_space<vmem>>, vector<1x1x128xf32>,
    %get3A_112 = arith.constant 2 : index
    %get3A_113 = arith.constant 0 : index
    %get3A_114 = arith.constant 0 : index
    %get3A_115 = vector.load %arg1[%get3A_112, %get3A_113, %get3A_114] : memref<4x832x128xf32, #tpu.memory_space<vmem>>, vector<1x832x128xf32>
    %get3A_116 = vector.shape_cast %get3A_115 : vector<1x832x128xf32> to vector<832x128xf32>
    %convert_element_type3A_117 = arith.truncf %get3A_116 : vector<832x128xf32> to vector<832x128xbf16>
    %get3A_118 = arith.constant 0 : index
    %get3A_119 = arith.constant 0 : index
    %get3A_120 = vector.load %arg3[%get3A_118, %get3A_119] : memref<512x832xbf16, #tpu.memory_space<vmem>>, vector<512x832xbf16>
    %dot_general3A_121 = arith.constant dense<0.000000e+00> : vector<512x128xf32>
    %dot_general3A_122 = tpu.matmul %get3A_120, %convert_element_type3A_117, %dot_general3A_121 {dimension_numbers = #tpu.dot_dimension_numbers<[1], [0], [0], [1], [0, 0, 1, 1], [], []>, transpose_lhs_hint = false} : vector<512x832xbf16>, vector<832x128xbf16>, vector<512x128xf32> -> vector<512x128xf32>
    %get3A_123 = arith.constant 0 : index
    %get3A_124 = arith.constant 0 : index
    %get3A_125 = vector.load %arg4[%get3A_123, %get3A_124] : memref<512x13xf32, #tpu.memory_space<vmem>>, vector<512x13xf32>
    %get3A_126 = arith.constant 2 : index
    %get3A_127 = arith.constant 0 : index
    %get3A_128 = arith.constant 0 : index
    %get3A_129 = vector.load %arg2[%get3A_126, %get3A_127, %get3A_128] : memref<4x13x128xf32, #tpu.memory_space<vmem>>, vector<1x13x128xf32>
    %get3A_130 = vector.shape_cast %get3A_129 : vector<1x13x128xf32> to vector<13x128xf32>
    %dot_general3A_131 = arith.constant dense<0.000000e+00> : vector<512x128xf32>
    %dot_general3A_132 = tpu.matmul %get3A_125, %get3A_130, %dot_general3A_131 {dimension_numbers = #tpu.dot_dimension_numbers<[1], [0], [0], [1], [0, 0, 1, 1], [], []>, transpose_lhs_hint = false} : vector<512x13xf32>, vector<13x128xf32>, vector<512x128xf32> -> vector<512x128xf32>
    %add3A_133 = arith.addf %dot_general3A_122, %dot_general3A_132 : vector<512x128xf32>
    %get3A_134 = arith.constant 0 : index
    %get3A_135 = arith.constant 0 : index
    %get3A_136 = vector.load %arg5[%get3A_134, %get3A_135] : memref<512x1xf32, #tpu.memory_space<vmem>>, vector<512x1xf32>
    %add3A_137 = vector.broadcast %get3A_136 : vector<512x1xf32> to vector<512x128xf32>
    %add3A_138 = arith.addf %add3A_133, %add3A_137 : vector<512x128xf32>
    %max3A_139 = arith.constant 0.000000e+00 : f32
    %max3A_140 = vector.broadcast %max3A_139 : f32 to vector<512x128xf32>
    %max3A_141 = arith.maximumf %add3A_138, %max3A_140 : vector<512x128xf32>
    %get3A_142 = arith.constant 0 : index
    %get3A_143 = arith.constant 0 : index
    %get3A_144 = vector.load %arg6[%get3A_142, %get3A_143] : memref<256x512xf32, #tpu.memory_space<vmem>>, vector<256x512xf32>
    %dot_general3A_145 = arith.constant dense<0.000000e+00> : vector<256x128xf32>
    %dot_general3A_146 = tpu.matmul %get3A_144, %max3A_141, %dot_general3A_145 {dimension_numbers = #tpu.dot_dimension_numbers<[1], [0], [0], [1], [0, 0, 1, 1], [], []>, transpose_lhs_hint = false} : vector<256x512xf32>, vector<512x128xf32>, vector<256x128xf32> -> vector<256x128xf32>
    %get3A_147 = arith.constant 0 : index
    %get3A_148 = arith.constant 0 : index
    %get3A_149 = vector.load %arg7[%get3A_147, %get3A_148] : memref<256x1xf32, #tpu.memory_space<vmem>>, vector<256x1xf32>
    %add3A_150 = vector.broadcast %get3A_149 : vector<256x1xf32> to vector<256x128xf32>
    %add3A_151 = arith.addf %dot_general3A_146, %add3A_150 : vector<256x128xf32>
    %max3A_152 = arith.constant 0.000000e+00 : f32
    %max3A_153 = vector.broadcast %max3A_152 : f32 to vector<256x128xf32>
    %max3A_154 = arith.maximumf %add3A_151, %max3A_153 : vector<256x128xf32>
    %get3A_155 = arith.constant 0 : index
    %get3A_156 = arith.constant 0 : index
    %get3A_157 = vector.load %arg8[%get3A_155, %get3A_156] : memref<1x256xf32, #tpu.memory_space<vmem>>, vector<1x256xf32>
    %dot_general3A_158 = arith.constant dense<0.000000e+00> : vector<1x128xf32>
    %dot_general3A_159 = tpu.matmul %get3A_157, %max3A_154, %dot_general3A_158 {dimension_numbers = #tpu.dot_dimension_numbers<[1], [0], [0], [1], [0, 0, 1, 1], [], []>, transpose_lhs_hint = false} : vector<1x256xf32>, vector<256x128xf32>, vector<1x128xf32> -> vector<1x128xf32>
    %get3A_160 = arith.constant 0 : index
    %get3A_161 = arith.constant 0 : index
    %get3A_162 = vector.load %arg9[%get3A_160, %get3A_161] : memref<1x1xf32, #tpu.memory_space<vmem>>, vector<1x1xf32>
    %add3A_163 = vector.broadcast %get3A_162 : vector<1x1xf32> to vector<1x128xf32>
    %add3A_164 = arith.addf %dot_general3A_159, %add3A_163 : vector<1x128xf32>
    %swap3A_165 = arith.constant 0 : index
    %swap3A_166 = arith.constant 2 : index
    %swap3A_167 = arith.constant 0 : index
    %swap3A_168 = vector.load %arg10[%swap3A_165, %swap3A_166, %swap3A_167] : memref<1x4x128xf32, #tpu.memory_space<vmem>>, vector<1x1x128xf32>
    %swap3A_169 = vector.shape_cast %swap3A_168 : vector<1x1x128xf32> to vector<1x128xf32>
    %swap3A_170 = vector.shape_cast %add3A_164 : vector<1x128xf32> to vector<1x1x128xf32>
    tpu.vector_store %arg10[%swap3A_165, %swap3A_166, %swap3A_167], %swap3A_170 {strides = array<i32>} : memref<1x4x128xf32, #tpu.memory_space<vmem>>, vector<1x1x128xf32>,
    %get3A_171 = arith.constant 3 : index
    %get3A_172 = arith.constant 0 : index
    %get3A_173 = arith.constant 0 : index
    %get3A_174 = vector.load %arg1[%get3A_171, %get3A_172, %get3A_173] : memref<4x832x128xf32, #tpu.memory_space<vmem>>, vector<1x832x128xf32>
    %get3A_175 = vector.shape_cast %get3A_174 : vector<1x832x128xf32> to vector<832x128xf32>
    %convert_element_type3A_176 = arith.truncf %get3A_175 : vector<832x128xf32> to vector<832x128xbf16>
    %get3A_177 = arith.constant 0 : index
    %get3A_178 = arith.constant 0 : index
    %get3A_179 = vector.load %arg3[%get3A_177, %get3A_178] : memref<512x832xbf16, #tpu.memory_space<vmem>>, vector<512x832xbf16>
    %dot_general3A_180 = arith.constant dense<0.000000e+00> : vector<512x128xf32>
    %dot_general3A_181 = tpu.matmul %get3A_179, %convert_element_type3A_176, %dot_general3A_180 {dimension_numbers = #tpu.dot_dimension_numbers<[1], [0], [0], [1], [0, 0, 1, 1], [], []>, transpose_lhs_hint = false} : vector<512x832xbf16>, vector<832x128xbf16>, vector<512x128xf32> -> vector<512x128xf32>
    %get3A_182 = arith.constant 0 : index
    %get3A_183 = arith.constant 0 : index
    %get3A_184 = vector.load %arg4[%get3A_182, %get3A_183] : memref<512x13xf32, #tpu.memory_space<vmem>>, vector<512x13xf32>
    %get3A_185 = arith.constant 3 : index
    %get3A_186 = arith.constant 0 : index
    %get3A_187 = arith.constant 0 : index
    %get3A_188 = vector.load %arg2[%get3A_185, %get3A_186, %get3A_187] : memref<4x13x128xf32, #tpu.memory_space<vmem>>, vector<1x13x128xf32>
    %get3A_189 = vector.shape_cast %get3A_188 : vector<1x13x128xf32> to vector<13x128xf32>
    %dot_general3A_190 = arith.constant dense<0.000000e+00> : vector<512x128xf32>
    %dot_general3A_191 = tpu.matmul %get3A_184, %get3A_189, %dot_general3A_190 {dimension_numbers = #tpu.dot_dimension_numbers<[1], [0], [0], [1], [0, 0, 1, 1], [], []>, transpose_lhs_hint = false} : vector<512x13xf32>, vector<13x128xf32>, vector<512x128xf32> -> vector<512x128xf32>
    %add3A_192 = arith.addf %dot_general3A_181, %dot_general3A_191 : vector<512x128xf32>
    %get3A_193 = arith.constant 0 : index
    %get3A_194 = arith.constant 0 : index
    %get3A_195 = vector.load %arg5[%get3A_193, %get3A_194] : memref<512x1xf32, #tpu.memory_space<vmem>>, vector<512x1xf32>
    %add3A_196 = vector.broadcast %get3A_195 : vector<512x1xf32> to vector<512x128xf32>
    %add3A_197 = arith.addf %add3A_192, %add3A_196 : vector<512x128xf32>
    %max3A_198 = arith.constant 0.000000e+00 : f32
    %max3A_199 = vector.broadcast %max3A_198 : f32 to vector<512x128xf32>
    %max3A_200 = arith.maximumf %add3A_197, %max3A_199 : vector<512x128xf32>
    %get3A_201 = arith.constant 0 : index
    %get3A_202 = arith.constant 0 : index
    %get3A_203 = vector.load %arg6[%get3A_201, %get3A_202] : memref<256x512xf32, #tpu.memory_space<vmem>>, vector<256x512xf32>
    %dot_general3A_204 = arith.constant dense<0.000000e+00> : vector<256x128xf32>
    %dot_general3A_205 = tpu.matmul %get3A_203, %max3A_200, %dot_general3A_204 {dimension_numbers = #tpu.dot_dimension_numbers<[1], [0], [0], [1], [0, 0, 1, 1], [], []>, transpose_lhs_hint = false} : vector<256x512xf32>, vector<512x128xf32>, vector<256x128xf32> -> vector<256x128xf32>
    %get3A_206 = arith.constant 0 : index
    %get3A_207 = arith.constant 0 : index
    %get3A_208 = vector.load %arg7[%get3A_206, %get3A_207] : memref<256x1xf32, #tpu.memory_space<vmem>>, vector<256x1xf32>
    %add3A_209 = vector.broadcast %get3A_208 : vector<256x1xf32> to vector<256x128xf32>
    %add3A_210 = arith.addf %dot_general3A_205, %add3A_209 : vector<256x128xf32>
    %max3A_211 = arith.constant 0.000000e+00 : f32
    %max3A_212 = vector.broadcast %max3A_211 : f32 to vector<256x128xf32>
    %max3A_213 = arith.maximumf %add3A_210, %max3A_212 : vector<256x128xf32>
    %get3A_214 = arith.constant 0 : index
    %get3A_215 = arith.constant 0 : index
    %get3A_216 = vector.load %arg8[%get3A_214, %get3A_215] : memref<1x256xf32, #tpu.memory_space<vmem>>, vector<1x256xf32>
    %dot_general3A_217 = arith.constant dense<0.000000e+00> : vector<1x128xf32>
    %dot_general3A_218 = tpu.matmul %get3A_216, %max3A_213, %dot_general3A_217 {dimension_numbers = #tpu.dot_dimension_numbers<[1], [0], [0], [1], [0, 0, 1, 1], [], []>, transpose_lhs_hint = false} : vector<1x256xf32>, vector<256x128xf32>, vector<1x128xf32> -> vector<1x128xf32>
    %get3A_219 = arith.constant 0 : index
    %get3A_220 = arith.constant 0 : index
    %get3A_221 = vector.load %arg9[%get3A_219, %get3A_220] : memref<1x1xf32, #tpu.memory_space<vmem>>, vector<1x1xf32>
    %add3A_222 = vector.broadcast %get3A_221 : vector<1x1xf32> to vector<1x128xf32>
    %add3A_223 = arith.addf %dot_general3A_218, %add3A_222 : vector<1x128xf32>
    %swap3A_224 = arith.constant 0 : index
    %swap3A_225 = arith.constant 3 : index
    %swap3A_226 = arith.constant 0 : index
    %swap3A_227 = vector.load %arg10[%swap3A_224, %swap3A_225, %swap3A_226] : memref<1x4x128xf32, #tpu.memory_space<vmem>>, vector<1x1x128xf32>
    %swap3A_228 = vector.shape_cast %swap3A_227 : vector<1x1x128xf32> to vector<1x128xf32>
    %swap3A_229 = vector.shape_cast %add3A_223 : vector<1x128xf32> to vector<1x1x128xf32>
    tpu.vector_store %arg10[%swap3A_224, %swap3A_225, %swap3A_226], %swap3A_229 {strides = array<i32>} : memref<1x4x128xf32, #tpu.memory_space<vmem>>, vector<1x1x128xf32>,
    return
  }
  func.func @transform_0(%arg0: i32) -> (i32, i32, i32) {
    %c0_i32 = arith.constant 0 : i32
    %c0_i32_0 = arith.constant 0 : i32
    %c0_i32_1 = arith.constant 0 : i32
    return %arg0, %c0_i32, %c0_i32_0 : i32, i32, i32
  }
  func.func @transform_1(%arg0: i32) -> (i32, i32, i32) {
    %c0_i32 = arith.constant 0 : i32
    %c0_i32_0 = arith.constant 0 : i32
    %c0_i32_1 = arith.constant 0 : i32
    return %arg0, %c0_i32, %c0_i32_0 : i32, i32, i32
  }
  func.func @transform_2(%arg0: i32) -> (i32, i32) {
    %c0_i32 = arith.constant 0 : i32
    %c0_i32_0 = arith.constant 0 : i32
    %c0_i32_1 = arith.constant 0 : i32
    return %c0_i32, %c0_i32_0 : i32, i32
  }
  func.func @transform_3(%arg0: i32) -> (i32, i32) {
    %c0_i32 = arith.constant 0 : i32
    %c0_i32_0 = arith.constant 0 : i32
    %c0_i32_1 = arith.constant 0 : i32
    return %c0_i32, %c0_i32_0 : i32, i32
  }
  func.func @transform_4(%arg0: i32) -> (i32, i32) {
    %c0_i32 = arith.constant 0 : i32
    %c0_i32_0 = arith.constant 0 : i32
    %c0_i32_1 = arith.constant 0 : i32
    return %c0_i32, %c0_i32_0 : i32, i32
  }
  func.func @transform_5(%arg0: i32) -> (i32, i32) {
    %c0_i32 = arith.constant 0 : i32
    %c0_i32_0 = arith.constant 0 : i32
    %c0_i32_1 = arith.constant 0 : i32
    return %c0_i32, %c0_i32_0 : i32, i32
  }
  func.func @transform_6(%arg0: i32) -> (i32, i32) {
    %c0_i32 = arith.constant 0 : i32
    %c0_i32_0 = arith.constant 0 : i32
    %c0_i32_1 = arith.constant 0 : i32
    return %c0_i32, %c0_i32_0 : i32, i32
  }
  func.func @transform_7(%arg0: i32) -> (i32, i32) {
    %c0_i32 = arith.constant 0 : i32
    %c0_i32_0 = arith.constant 0 : i32
    %c0_i32_1 = arith.constant 0 : i32
    return %c0_i32, %c0_i32_0 : i32, i32
  }
  func.func @transform_8(%arg0: i32) -> (i32, i32) {
    %c0_i32 = arith.constant 0 : i32
    %c0_i32_0 = arith.constant 0 : i32
    %c0_i32_1 = arith.constant 0 : i32
    return %c0_i32, %c0_i32_0 : i32, i32
  }
  func.func @transform_9(%arg0: i32) -> (i32, i32, i32) {
    %c0_i32 = arith.constant 0 : i32
    %c0_i32_0 = arith.constant 0 : i32
    %c0_i32_1 = arith.constant 0 : i32
    return %arg0, %c0_i32, %c0_i32_0 : i32, i32, i32
  }
}

</mosaic_0001>

<sc_bundles>
// kernel: kernel.4.cloned.1.call-start
scs
__scs_entry_jumppad:
0x0: {  	(pc) =	sbr.rel $0x88, $3  }
0x1: {  	(tag) =	ssettag $0x0;
	lr =	simm.s32 $0x1  }
0x2: {  	[smem:$0x3F98] =	sst lr;
	_ =	strace $0xD0000000  }
0x3: {  	_ = 	snop  }
0x4: {  	_ = 	snop  }
0x5: {  	_ = 	snop  }
0x6: {  	_ = 	snop  }
0x7: {  	_ = 	snop  }
__scs_overlays_trampoline_lowered:
0x8: {  	[smem:$0x3FA7] =	sst s0  }
0x9: {  	[smem:$0x3FA8] =	sst s1  }
0xa: {  	[smem:$0x3FA9] =	sst s2  }
0xb: {  	[smem:$0x3FAA] =	sst s3  }
0xc: {  	[smem:$0x3FAB] =	sst s4  }
0xd: {  	[smem:$0x3FAC] =	sst s5  }
0xe: {  	[smem:$0x3FAD] =	sst s6  }
0xf: {  	[smem:$0x3FAE] =	sst s7  }
0x10: {  	[smem:$0x3FAF] =	sst s8  }
0x11: {  	[smem:$0x3FB0] =	sst s9;
	s0 =	simm.s32 @!p0 $0x0  }
0x12: {  	s1 =	sld [smem:$0x3F96];
	s0 =	simm.s32 @p0 $0x1  }
0x13: {  	[smem:$0x3FB1] =	sst s0;
	s0 =	simm.s32 @!p1 $0x0  }
0x14: {  	s2 =	sld [smem:$0x3F95];
	s0 =	simm.s32 @p1 $0x1  }
0x15: {  	[smem:$0x3FB2] =	sst s0;
	s0 =	simm.s32 @!p2 $0x0  }
0x16: {  	s3 =	sld [smem:$0x3FDB];
	s0 =	simm.s32 @p2 $0x1  }
0x17: {  	s4 =	simm.s32 $0x1BF5;
	[smem:$0x3FB4] =	sst s0  }
0x18: {  	s0 =	sld [smem:$0x3F97];
	_ =	swait.ge [sflag:s4], $0x0  }
0x19: {  	s7 =	sld [smem:$0x3F98]  }
0x1a: {  	s8 =	sadd.s32 $0xFFFFE003, lr  }
0x1b: {  	s9 =	sadd.s32 $0xFFFFFEF7, lr;
	s5 =	simm.s32 $0xFFFFFFFF;
	p2 =	slt.u32 s8, $0xFFFFF086  }
0x1c: {  	p1 =	slt.u32 s9, $0xF7A;
	s5 =	simm.s32 @!p2 $0x0  }
0x1d: {  	s5 =	simm.s32 @p1 $0x1;
	p0 =	seq.s32 s7, s2  }
0x1e: {  	s7 =	smul.u32 @!p0 $0xF7A, s2;
	p2 =	seq.s32 @!p0 s5, $0x0  }
0x1f: {  	s9 =	smul.u32 $0xF7A, s1;
	s8 =	simm.s32 @!p0 $0x1BF5;
	p2 =	por !p2, p0  }
0x20: {  	[sflag:s8] =	ssyncset.s32 @!p0 $0xFFFFF086;
	s6 =	sadd.s32 @!p0 s3, s7;
	s7 =	simm.s32 @!p0 $0x108  }
0x21: {  	s3 =	sadd.s32 s3, s9;
	s6 =	sadd.s32 @!p0 $0x88, s6;
	s7 =	simm.s32 @p2 $0x1082  }
0x22: {  	[simem:s7], [sflag:s8] =	dma.local @!p0 [hbm:s6], $0xF7A  }
0x23: {  	s9 =	sor.u32 $0xD0000000, s2;
	s6 =	simm.s32 $0x108;
	_ =	swait.ge @!p0 [sflag:s8], $0x0  }
0x24: {  	s3 =	sadd.s32 $0x88, s3;
	s6 =	simm.s32 @!p1 $0x1082;
	[sflag:s4] =	ssyncset.s32 $0xFFFFF086  }
0x25: {  	[simem:s6], [sflag:s4] =	dma.local [hbm:s3], $0xF7A  }
0x26: {  	[smem:$0x3F98] =	sst s1;
	(tag) =	ssettag s2;
	_ =	strace s9  }
0x27: {  	s1 =	sld [smem:$0x3FA8]  }
0x28: {  	s2 =	sld [smem:$0x3FA9]  }
0x29: {  	s4 =	sld [smem:$0x3FAB]  }
0x2a: {  	p0 =	seq.s32 s5, $0x0;
	s5 =	sld [smem:$0x3FAC]  }
0x2b: {  	s6 =	sld [smem:$0x3FAD]  }
0x2c: {  	s7 =	sld [smem:$0x3FAE]  }
0x2d: {  	s3 =	simm.s32 $0x108;
	s8 =	sld [smem:$0x3FAF]  }
0x2e: {  	s3 =	simm.s32 @!p0 $0x1082;
	s9 =	sld [smem:$0x3FB0]  }
0x2f: {  	lr =	sadd.s32 s0, s3;
	s0 =	sld [smem:$0x3FA7]  }
0x30: {  	s3 =	sld [smem:$0x3FAA]  }
0x31: {  	[smem:$0x3FB3] =	sst s10  }
0x32: {  	s10 =	sld [smem:$0x3FB1];
	_ =	sdelay $0x3  }
0x33: {  	p0 =	seq.s32 s10, $0x1;
	s10 =	sld [smem:$0x3FB3];
	_ =	sdelay $0x3  }
0x34: {  	[smem:$0x3FB3] =	sst s10  }
0x35: {  	s10 =	sld [smem:$0x3FB2];
	_ =	sdelay $0x3  }
0x36: {  	p1 =	seq.s32 s10, $0x1;
	s10 =	sld [smem:$0x3FB3];
	_ =	sdelay $0x3  }
0x37: {  	[smem:$0x3FB3] =	sst s10  }
0x38: {  	s10 =	sld [smem:$0x3FB4]  }
0x39: {  	_ = 	snop;
	(pc) =	sbr.ind lr, $3  }
0x3a: {  	_ = 	snop  }
0x3b: {  	_ = 	snop  }
0x3c: {  	p2 =	seq.s32 s10, $0x1;
	s10 =	sld [smem:$0x3FB3]  }
0x3d: {  	_ =	shalt  }
0x3e: {  	_ =	shalt  }
0x3f: {  	_ =	shalt  }
0x40: {  	_ =	shalt  }
0x41: {  	_ =	shalt  }
0x42: {  	_ =	shalt  }
0x43: {  	_ =	shalt  }
0x44: {  	_ =	shalt  }
0x45: {  	_ =	shalt  }
0x46: {  	_ =	shalt  }
0x47: {  	_ =	shalt  }
0x48: {  	_ =	shalt  }
0x49: {  	_ =	shalt  }
0x4a: {  	_ =	shalt  }
0x4b: {  	_ =	shalt  }
0x4c: {  	_ =	shalt  }
0x4d: {  	_ =	shalt  }
0x4e: {  	_ =	shalt  }
0x4f: {  	_ =	shalt  }
0x50: {  	_ =	shalt  }
0x51: {  	_ =	shalt  }
0x52: {  	_ =	shalt  }
0x53: {  	_ =	shalt  }
0x54: {  	_ =	shalt  }
0x55: {  	_ =	shalt  }
0x56: {  	_ =	shalt  }
0x57: {  	_ =	shalt  }
0x58: {  	_ =	shalt  }
0x59: {  	_ =	shalt  }
0x5a: {  	_ =	shalt  }
0x5b: {  	_ =	shalt  }
0x5c: {  	_ =	shalt  }
0x5d: {  	_ =	shalt  }
0x5e: {  	_ =	shalt  }
0x5f: {  	_ =	shalt  }
0x60: {  	_ =	shalt  }
0x61: {  	_ =	shalt  }
0x62: {  	_ =	shalt  }
0x63: {  	_ =	shalt  }
0x64: {  	_ =	shalt  }
0x65: {  	_ =	shalt  }
0x66: {  	_ =	shalt  }
0x67: {  	_ =	shalt  }
0x68: {  	_ =	shalt  }
0x69: {  	_ =	shalt  }
0x6a: {  	_ =	shalt  }
0x6b: {  	_ =	shalt  }
0x6c: {  	_ =	shalt  }
0x6d: {  	_ =	shalt  }
0x6e: {  	_ =	shalt  }
0x6f: {  	_ =	shalt  }
0x70: {  	_ =	shalt  }
0x71: {  	_ =	shalt  }
0x72: {  	_ =	shalt  }
0x73: {  	_ =	shalt  }
0x74: {  	_ =	shalt  }
0x75: {  	_ =	shalt  }
0x76: {  	_ =	shalt  }
0x77: {  	_ =	shalt  }
0x78: {  	_ =	shalt  }
0x79: {  	_ =	shalt  }
0x7a: {  	_ =	shalt  }
0x7b: {  	_ =	shalt  }
0x7c: {  	_ =	shalt  }
0x7d: {  	_ =	shalt  }
0x7e: {  	_ =	shalt  }
0x7f: {  	_ =	shalt  }
0x80: {  	_ =	shalt  }
0x81: {  	_ =	shalt  }
0x82: {  	_ =	shalt  }
0x83: {  	_ =	shalt  }
0x84: {  	_ =	shalt  }
0x85: {  	_ =	shalt  }
0x86: {  	_ =	shalt  }
0x87: {  	_ =	shalt  }
.Lfunc_end0:
.L_simem_size_0:
called_computation_lowered:
.L_overlay_start_0:
0x88: {  	s2 =	sld [smem:$0x3FD9]  }
0x89: {  	s3 =	sld [smem:$0x3FFE];
	_ =	sdelay $0x1  }
0x8a: {  	s1 =	srdreg.scid  }
0x8b: {  	s0 =	sand.u32 $0x1, s1  }
0x8c: {  	s17 =	sshll.u32 s0, $0xA;
	s2 =	sadd.s32 s3, s2  }
0x8d: {  	s2 =	sadd.s32 s2, s17  }
0x8e: {  	[smem:$0x3FBF] =	sst s2  }
0x8f: {  	_ = 	snop  }
0x90: {  	s2 =	sld [smem:$0x3FC7];
	(tm) =	ssettm $0x1  }
0x91: {  	s18 =	sld [smem:$0x3FFB];
	_ =	sdelay $0x3  }
0x92: {  	_ =	strace s18  }
0x93: {  	s3 =	sld [smem:$0x3FFC];
	_ =	sdelay $0x3  }
0x94: {  	_ =	strace s3  }
0x95: {  	s3 =	sld [smem:$0x3FFD];
	_ =	sdelay $0x3  }
0x96: {  	_ =	strace s3  }
0x97: {  	_ =	strace $0x8FFFFFFF  }
0x98: {  	s19 =	sld [smem:$0x3FDB];
	_ =	sdelay $0x1  }
0x99: {  	s4 =	simm.s32 $_scs_section_size  }
0x9a: {  	s5 =	simm.s32 $_size__tile_overlayer_lowered;
	s6 =	simm.s32 $_tile_overlayer_lowered  }
0x9b: {  	s22 =	simm.s32 $0x1BFF;
	s21 =	sshll.u32 s6, $0x1;
	s3 =	sadd.s32 s4, s19  }
0x9c: {  	s7 =	simm.s32 $0x0;
	s20 =	sshll.u32 s5, $0x1;
	s5 =	sadd.s32 s21, s3  }
0x9d: {  	[timem:s7], [sflag:s22] =	dma.local [hbm:s5], s20  }
0x9e: {  	_ =	swait.ge [sflag:s22], s20  }
0x9f: {  	s4 =	ssub.s32 $0x0, s20;
	[sflag:s22] =	ssyncset.done $0x0  }
0xa0: {  	[sflag:s22] =	ssyncadd.s32 s4;
	_ =	sdelay $0x1  }
0xa1: {  	s23 =	simm.s32 $0x1B8B  }
0xa2: {  	_ =	swait.ge [sflag:s23], $0x1  }
0xa3: {  	[sflag:s23] =	ssyncset.done $0x0  }
0xa4: {  	s25 =	simm.s32 $0x1B8E;
	s24 =	sld [smem:$0x3FFE];
	[sflag:s23] =	ssyncadd.s32 $0xFFFFFFFF  }
0xa5: {  	s26 =	simm.s32 $execute0_lowered;
	[smem:$0x3FD2] =	sst s25  }
0xa6: {  	s5 =	sshll.u32 s26, $0x1;
	_ =	strace $0x80000046;
	[dreg:$0x1] =	wrdreg $0xFFFFFFFF  }
0xa7: {  	s28 =	simm.s32 $_size_execute0_lowered;
	s3 =	sadd.s32 s3, s5;
	[dreg:$0x0] =	wrdreg $0x0  }
0xa8: {  	s5 =	sshll.u32 s28, $0x1;
	[dreg:$0x2] =	wrdreg s3  }
0xa9: {  	[dreg:$0x3] =	wrdreg s5  }
0xaa: {  	[dreg:$0x4] =	wrdreg $0xC0  }
0xab: {  	_ =	task [dreg:s7], $0x5FFFF  }
0xac: {  	[dreg:$0x1] =	wrdreg $0xFFFFFFFF  }
0xad: {  	[dreg:$0x0] =	wrdreg $0x60  }
0xae: {  	[dreg:$0x2] =	wrdreg s2  }
0xaf: {  	[dreg:$0x3] =	wrdreg s24  }
0xb0: {  	[dreg:$0x4] =	wrdreg $0x9  }
0xb1: {  	_ =	task.clear_ibuf [dreg:s7], $0x5FFFF;
	_ =	strace $0x90000046  }
0xb2: {  	s29 =	simm.s32 $0x9;
	_ =	strace $0x80000048  }
0xb3: {  	_ =	swait.ge [sflag:s29], $0x1  }
0xb4: {  	[sflag:s29] =	ssyncadd.s32 $0xFFFFFFFF  }
0xb5: {  	_ =	strace $0x90000048  }
0xb6: {  	_ =	sfence  }
0xb7: {  	s30 =	sld [smem:$0x0];
	_ =	sdelay $0x2  }
0xb8: {  	s31 =	sshll.u32 s1, $0xD;
	s1 =	sshrl.u32 s1, $0x2  }
0xb9: {  	s3 =	sand.u32 $0x4000, s31;
	s1 =	sadd.s32 s1, s30  }
0xba: {  	s0 =	sor.u32 s3, s0;
	s1 =	sshll.u32 s1, $0x11  }
0xbb: {  	s0 =	sor.u32 s1, s0  }
0xbc: {  	s0 =	sadd.s32 $0x8F2B, s0  }
0xbd: {  	[sflag:s0] =	ssyncadd.remote.s32 $0x1  }
0xbe: {  	_ =	sfence.sel $0xFFFF  }
0xbf: {  	[dreg:$0x0] =	wrdreg $0xFFFFFFFF;
	(pc) =	sbr.abs _section_cstart, $3  }
0xc0: {  	[dreg:$0x1] =	wrdreg $0xFFFFFFFF  }
0xc1: {  	_ =	task.clear_ibuf [dreg:s7], $0x2FFFF;
	_ =	strace $0x9FFFFFFF  }
0xc2: {  	(tm) =	ssettm $0x7FFFFFFF  }
0xc3: {  	_ =	shalt  }
tec
execute0_lowered:
.L_overlay_start_1:
0x0: {  	(tag) =	ssettag $0x1  }
0x1: {  	s1 =	rddreg [dreg:$0x0]  }
0x2: {  	s6 =	rddreg [dreg:$0x1]  }
0x3: {  	s0 =	rddreg [dreg:$0x2]  }
0x4: {  	s3 =	simm.s32 $0x0;
	s4 =	srdreg.scid;
	s2 =	stileid.u32  }
0x5: {  	s10 =	simm.s32 $0x80;
	s11 =	simm.s32 $0x400;
	s12 =	simm.s32 $0x2  }
0x6: {  	s13 =	simm.s32 $0x1;
	s14 =	simm.s32 $0x1A000;
	s15 =	simm.s32 $0x1C700  }
0x7: {  	s16 =	simm.s32 $0x1D700;
	s17 =	simm.s32 $0x3;
	s18 =	simm.s32 $0x4  }
0x8: {  	s19 =	simm.s32 $0x0;
	[smem:$0x7FF] =	sst s3;
	s5 =	sand.u32 $0x1, s4  }
0x9: {  	s4 =	sshll.u32 s2, $0x1;
	_ =	strace $0x80000047;
	s7 =	ssub.s32 $0x2, s5  }
0xa: {  	s8 =	sor.u32 s5, s4;
	s5 =	sadd.s32 $0x1400, s6;
	s9 =	sshrl.u32 s7, $0x1  }
0xb: {  	s6 =	sadd.s32 $0xE400, s6;
	s8 =	sshll.u32 s8, $0x7;
	s9 =	ssub.s32 s7, s9  }
0xc: {  	s7 =	sand.u32 $0x380, s8;
	s8 =	smax.u32 s9, $0x1;
	s9 =	simm.s32 $0x18700  }
.LBB2_1:
0xd: {  	s20 =	simm.s32 $0x0  }
.LBB2_2:
0xe: {  	s21 =	sshll.u32 s20, $0x5  }
0xf: {  	s21 =	sor.u32 s4, s21  }
0x10: {  	s22 =	sshll.u32 s20, $0xB;
	s21 =	sshrl.u32 s21, $0x3  }
0x11: {  	s22 =	sadd.s32 s5, s22;
	s23 =	smul.u32 $0xC3800, s21  }
0x12: {  	[tilespmem:s9], [sflag:$0x2] =	stream.linear.gather [hbm4b:s22+s3], $0x4000, $0x38;
	[tilespmem:$0x1E700] =	vst v63  }
0x13: {  	s31 =	sor.u32 s7, s23  }
0x14: {  	s22 =	sshrl.u32 s31, $0x3  }
0x15: {  	s22 =	sadd.s32 s1, s22  }
0x16: {  	[tilespmem:s3], [sflag:$0x1] =	stream.strided.gather [hbm4b:s22+s10], $0x18700, s11, s10, $0x38;
	[tilespmem:$0x1E700] =	vst v63  }
0x17: {  	_ =	swait.ge [sflag:s12], $0x4000  }
0x18: {  	[sflag:s12] =	ssyncset.done $0x0  }
0x19: {  	[sflag:s12] =	ssyncadd.s32 $0xFFFFC000  }
0x1a: {  	_ =	swait.ge [sflag:s13], $0x18700  }
0x1b: {  	p0 =	seq.s32 s20, $0x0;
	[sflag:s13] =	ssyncset.done $0x0  }
0x1c: {  	s22 =	simm.s32 @!p0 $0x3;
	[sflag:s13] =	ssyncadd.s32 $0xFFFE7900  }
0x1d: {  	_ =	swait.ge @!p0 [sflag:s22], $0x1000  }
0x1e: {  	[sflag:s22] =	ssyncset.done @!p0 $0x0  }
0x1f: {  	[sflag:s22] =	ssyncadd.s32 @!p0 $0xFFFFF000;
	s22 =	simm.s32 $0x18780  }
0x20: {  	v0 =	vld [tilespmem:s22+$0xFFFFFFE0]  }
0x21: {  	v1 =	vld [tilespmem:s22+$0xFFFFFFF0]  }
0x22: {  	v2 =	vld [tilespmem:s22+$0xFFFFFF80]  }
0x23: {  	v3 =	vld [tilespmem:s22+$0xFFFFFFA0]  }
0x24: {  	v4 =	vld [tilespmem:s22+$0xFFFFFFD0]  }
0x25: {  	v5 =	vld [tilespmem:s22+$0xFFFFFFB0]  }
0x26: {  	v6 =	vld [tilespmem:s22+$0xFFFFFFC0]  }
0x27: {  	v7 =	vld [tilespmem:s22+$0xFFFFFF90]  }
0x28: {  	v0 =	vld.idx.msk [tilespmem:v0+s3+$0x0], $0xffff  }
0x29: {  	v1 =	vld.idx.msk [tilespmem:v1+s3+$0x0], $0xffff  }
0x2a: {  	v2 =	vld.idx.msk [tilespmem:v2+s3+$0x0], $0xffff  }
0x2b: {  	v3 =	vld.idx.msk [tilespmem:v3+s3+$0x0], $0xffff  }
0x2c: {  	v4 =	vld.idx.msk [tilespmem:v4+s3+$0x0], $0xffff  }
0x2d: {  	v5 =	vld.idx.msk [tilespmem:v5+s3+$0x0], $0xffff  }
0x2e: {  	s23 =	simm.s32 $0x1C780;
	v6 =	vld.idx.msk [tilespmem:v6+s3+$0x0], $0xffff  }
0x2f: {  	v7 =	vld.idx.msk [tilespmem:v7+s3+$0x0], $0xffff;
	[tilespmem:s23+$0xFFFFFFF0] =	vst v1  }
0x30: {  	[tilespmem:s23+$0xFFFFFF80] =	vst v2  }
0x31: {  	[tilespmem:s23+$0xFFFFFFA0] =	vst v3  }
0x32: {  	[tilespmem:s23+$0xFFFFFFD0] =	vst v4  }
0x33: {  	[tilespmem:s23+$0xFFFFFFC0] =	vst v6  }
0x34: {  	[tilespmem:s23+$0xFFFFFFB0] =	vst v5  }
0x35: {  	[tilespmem:s23+$0xFFFFFF90] =	vst v7  }
0x36: {  	[tilespmem:s23+$0xFFFFFFE0] =	vst v0  }
0x37: {  	v0 =	vld [tilespmem:s22+$0x70]  }
0x38: {  	v6 =	vld [tilespmem:s22+$0x10]  }
0x39: {  	v7 =	vld [tilespmem:s22+$0x20]  }
0x3a: {  	v8 =	vld [tilespmem:s22+$0x60]  }
0x3b: {  	v5 =	vld [tilespmem:s22+$0x40]  }
0x3c: {  	v2 =	vld [tilespmem:s22+$0x50]  }
0x3d: {  	v3 =	vld [tilespmem:s22+$0x0]  }
0x3e: {  	v4 =	vld [tilespmem:s22+$0x30]  }
0x3f: {  	v1 =	vld.idx.msk [tilespmem:v0+s3+$0x0], $0xffff  }
0x40: {  	v0 =	vld.idx.msk [tilespmem:v6+s3+$0x0], $0xffff  }
0x41: {  	v7 =	vld.idx.msk [tilespmem:v7+s3+$0x0], $0xffff  }
0x42: {  	s25 =	simm.s32 $0x0;
	s24 =	simm.s32 $0x1C780;
	v6 =	vld.idx.msk [tilespmem:v8+s3+$0x0], $0xffff  }
.LBB2_3:
0x43: {  	s25 =	sadd.s32 $0x2, s25;
	v5 =	vld.idx.msk [tilespmem:v5+s3+$0x0], $0xffff;
	s23 =	sadd.s32 $0x100, s23;
	s22 =	sadd.s32 $0x100, s22  }
0x44: {  	p1 =	slt.u32 s25, $0x1E;
	v2 =	vld.idx.msk [tilespmem:v2+s3+$0x0], $0xffff  }
0x45: {  	v3 =	vld.idx.msk [tilespmem:v3+s3+$0x0], $0xffff  }
0x46: {  	v4 =	vld.idx.msk [tilespmem:v4+s3+$0x0], $0xffff  }
0x47: {  	[tilespmem:s24+$0x20] =	vst v7  }
0x48: {  	[tilespmem:s24+$0x70] =	vst v1  }
0x49: {  	[tilespmem:s24+$0x60] =	vst v6  }
0x4a: {  	[tilespmem:s24+$0x50] =	vst v2  }
0x4b: {  	[tilespmem:s24+$0x0] =	vst v3  }
0x4c: {  	[tilespmem:s24+$0x40] =	vst v5  }
0x4d: {  	[tilespmem:s24+$0x30] =	vst v4  }
0x4e: {  	[tilespmem:s24+$0x10] =	vst v0;
	s24 =	smov.u32 s23  }
0x4f: {  	v0 =	vld [tilespmem:s22+$0xFFFFFFE0]  }
0x50: {  	v1 =	vld [tilespmem:s22+$0xFFFFFFF0]  }
0x51: {  	v2 =	vld [tilespmem:s22+$0xFFFFFF80]  }
0x52: {  	v3 =	vld [tilespmem:s22+$0xFFFFFFA0]  }
0x53: {  	v4 =	vld [tilespmem:s22+$0xFFFFFFD0]  }
0x54: {  	v5 =	vld [tilespmem:s22+$0xFFFFFFB0]  }
0x55: {  	v6 =	vld [tilespmem:s22+$0xFFFFFFC0]  }
0x56: {  	v7 =	vld [tilespmem:s22+$0xFFFFFF90]  }
0x57: {  	v0 =	vld.idx.msk [tilespmem:v0+s3+$0x0], $0xffff  }
0x58: {  	v1 =	vld.idx.msk [tilespmem:v1+s3+$0x0], $0xffff  }
0x59: {  	v2 =	vld.idx.msk [tilespmem:v2+s3+$0x0], $0xffff  }
0x5a: {  	v3 =	vld.idx.msk [tilespmem:v3+s3+$0x0], $0xffff  }
0x5b: {  	v4 =	vld.idx.msk [tilespmem:v4+s3+$0x0], $0xffff  }
0x5c: {  	v5 =	vld.idx.msk [tilespmem:v5+s3+$0x0], $0xffff  }
0x5d: {  	v6 =	vld.idx.msk [tilespmem:v6+s3+$0x0], $0xffff  }
0x5e: {  	v7 =	vld.idx.msk [tilespmem:v7+s3+$0x0], $0xffff  }
0x5f: {  	[tilespmem:s23+$0xFFFFFFF0] =	vst v1  }
0x60: {  	[tilespmem:s23+$0xFFFFFF80] =	vst v2  }
0x61: {  	[tilespmem:s23+$0xFFFFFFA0] =	vst v3  }
0x62: {  	[tilespmem:s23+$0xFFFFFFD0] =	vst v4  }
0x63: {  	[tilespmem:s23+$0xFFFFFFC0] =	vst v6  }
0x64: {  	[tilespmem:s23+$0xFFFFFFB0] =	vst v5  }
0x65: {  	[tilespmem:s23+$0xFFFFFF90] =	vst v7  }
0x66: {  	[tilespmem:s23+$0xFFFFFFE0] =	vst v0  }
0x67: {  	v0 =	vld [tilespmem:s22+$0x70]  }
0x68: {  	v6 =	vld [tilespmem:s22+$0x10]  }
0x69: {  	v7 =	vld [tilespmem:s22+$0x20]  }
0x6a: {  	v8 =	vld [tilespmem:s22+$0x60]  }
0x6b: {  	v5 =	vld [tilespmem:s22+$0x40]  }
0x6c: {  	v2 =	vld [tilespmem:s22+$0x50]  }
0x6d: {  	v3 =	vld [tilespmem:s22+$0x0]  }
.Ltmp0:
0x6e: {  	v4 =	vld [tilespmem:s22+$0x30];
	(pc) =	sbr.rel @p1 .LBB2_3-.Ltmp0, $4  }
0x6f: {  	v1 =	vld.idx.msk [tilespmem:v0+s3+$0x0], $0xffff  }
0x70: {  	v0 =	vld.idx.msk [tilespmem:v6+s3+$0x0], $0xffff  }
0x71: {  	v7 =	vld.idx.msk [tilespmem:v7+s3+$0x0], $0xffff  }
0x72: {  	v6 =	vld.idx.msk [tilespmem:v8+s3+$0x0], $0xffff  }
0x73: {  	_ =	sdelay $0x3  }
0x74: {  	v5 =	vld.idx.msk [tilespmem:v5+s3+$0x0], $0xffff  }
0x75: {  	v2 =	vld.idx.msk [tilespmem:v2+s3+$0x0], $0xffff  }
0x76: {  	v3 =	vld.idx.msk [tilespmem:v3+s3+$0x0], $0xffff  }
0x77: {  	v4 =	vld.idx.msk [tilespmem:v4+s3+$0x0], $0xffff;
	[tilespmem:s24+$0x70] =	vst v1  }
0x78: {  	[tilespmem:s24+$0x10] =	vst v0  }
0x79: {  	[tilespmem:s24+$0x20] =	vst v7  }
0x7a: {  	[tilespmem:s24+$0x60] =	vst v6  }
0x7b: {  	s21 =	sshll.u32 s21, $0xA;
	[tilespmem:s24+$0x50] =	vst v2  }
0x7c: {  	s21 =	sor.u32 s7, s21;
	[tilespmem:s24+$0x0] =	vst v3  }
0x7d: {  	s21 =	sshrl.u32 s21, $0x3;
	[tilespmem:s24+$0x40] =	vst v5  }
0x7e: {  	s22 =	sadd.s32 s6, s21;
	[tilespmem:s24+$0x30] =	vst v4  }
0x7f: {  	[hbm4b:s22+s10] =	stream.strided.scatter [tilespmem:s15], [sflag:$0x3], $0x1000, s14, s10, $0x38;
	[tilespmem:$0x1E700] =	vst v63  }
0x80: {  	s22 =	simm.s32 @!p0 $0x4  }
0x81: {  	_ =	swait.ge @!p0 [sflag:s22], $0x1000  }
0x82: {  	[sflag:s22] =	ssyncset.done @!p0 $0x0  }
0x83: {  	[sflag:s22] =	ssyncadd.s32 @!p0 $0xFFFFF000;
	s22 =	simm.s32 $0x197F0  }
0x84: {  	v0 =	vld [tilespmem:s22+$0xFFFFFF70]  }
0x85: {  	v1 =	vld [tilespmem:s22+$0xFFFFFF80]  }
0x86: {  	v2 =	vld [tilespmem:s22+$0xFFFFFF10]  }
0x87: {  	v3 =	vld [tilespmem:s22+$0xFFFFFF30]  }
0x88: {  	v4 =	vld [tilespmem:s22+$0xFFFFFF60]  }
0x89: {  	v5 =	vld [tilespmem:s22+$0xFFFFFF40]  }
0x8a: {  	v6 =	vld [tilespmem:s22+$0xFFFFFF50]  }
0x8b: {  	v7 =	vld [tilespmem:s22+$0xFFFFFF20]  }
0x8c: {  	v0 =	vld.idx.msk [tilespmem:v0+s3+$0x0], $0xffff  }
0x8d: {  	v1 =	vld.idx.msk [tilespmem:v1+s3+$0x0], $0xffff  }
0x8e: {  	v2 =	vld.idx.msk [tilespmem:v2+s3+$0x0], $0xffff  }
0x8f: {  	v3 =	vld.idx.msk [tilespmem:v3+s3+$0x0], $0xffff  }
0x90: {  	v4 =	vld.idx.msk [tilespmem:v4+s3+$0x0], $0xffff  }
0x91: {  	v5 =	vld.idx.msk [tilespmem:v5+s3+$0x0], $0xffff  }
0x92: {  	s23 =	simm.s32 $0x1D780;
	v6 =	vld.idx.msk [tilespmem:v6+s3+$0x0], $0xffff  }
0x93: {  	v7 =	vld.idx.msk [tilespmem:v7+s3+$0x0], $0xffff;
	[tilespmem:s23+$0xFFFFFFF0] =	vst v1  }
0x94: {  	[tilespmem:s23+$0xFFFFFF80] =	vst v2  }
0x95: {  	[tilespmem:s23+$0xFFFFFFA0] =	vst v3  }
0x96: {  	[tilespmem:s23+$0xFFFFFFD0] =	vst v4  }
0x97: {  	[tilespmem:s23+$0xFFFFFFC0] =	vst v6  }
0x98: {  	[tilespmem:s23+$0xFFFFFFB0] =	vst v5  }
0x99: {  	[tilespmem:s23+$0xFFFFFF90] =	vst v7  }
0x9a: {  	[tilespmem:s23+$0xFFFFFFE0] =	vst v0  }
0x9b: {  	v0 =	vld [tilespmem:s22+$0x0]  }
0x9c: {  	v6 =	vld [tilespmem:s22+$0xFFFFFFA0]  }
0x9d: {  	v7 =	vld [tilespmem:s22+$0xFFFFFFB0]  }
0x9e: {  	v8 =	vld [tilespmem:s22+$0xFFFFFFF0]  }
0x9f: {  	v5 =	vld [tilespmem:s22+$0xFFFFFFD0]  }
0xa0: {  	v2 =	vld [tilespmem:s22+$0xFFFFFFE0]  }
0xa1: {  	v3 =	vld [tilespmem:s22+$0xFFFFFF90]  }
0xa2: {  	v4 =	vld [tilespmem:s22+$0xFFFFFFC0]  }
0xa3: {  	v1 =	vld.idx.msk [tilespmem:v0+s3+$0x0], $0xffff  }
0xa4: {  	v0 =	vld.idx.msk [tilespmem:v6+s3+$0x0], $0xffff  }
0xa5: {  	v7 =	vld.idx.msk [tilespmem:v7+s3+$0x0], $0xffff  }
0xa6: {  	s25 =	simm.s32 $0x0;
	s24 =	simm.s32 $0x1D780;
	v6 =	vld.idx.msk [tilespmem:v8+s3+$0x0], $0xffff  }
.LBB2_5:
0xa7: {  	s25 =	sadd.s32 $0x2, s25;
	v5 =	vld.idx.msk [tilespmem:v5+s3+$0x0], $0xffff;
	s23 =	sadd.s32 $0x100, s23;
	s22 =	sadd.s32 $0x100, s22  }
0xa8: {  	p0 =	slt.u32 s25, $0x1E;
	v2 =	vld.idx.msk [tilespmem:v2+s3+$0x0], $0xffff  }
0xa9: {  	v3 =	vld.idx.msk [tilespmem:v3+s3+$0x0], $0xffff  }
0xaa: {  	v4 =	vld.idx.msk [tilespmem:v4+s3+$0x0], $0xffff  }
0xab: {  	[tilespmem:s24+$0x20] =	vst v7  }
0xac: {  	[tilespmem:s24+$0x70] =	vst v1  }
0xad: {  	[tilespmem:s24+$0x60] =	vst v6  }
0xae: {  	[tilespmem:s24+$0x50] =	vst v2  }
0xaf: {  	[tilespmem:s24+$0x0] =	vst v3  }
0xb0: {  	[tilespmem:s24+$0x40] =	vst v5  }
0xb1: {  	[tilespmem:s24+$0x30] =	vst v4  }
0xb2: {  	[tilespmem:s24+$0x10] =	vst v0;
	s24 =	smov.u32 s23  }
0xb3: {  	v0 =	vld [tilespmem:s22+$0xFFFFFF70]  }
0xb4: {  	v1 =	vld [tilespmem:s22+$0xFFFFFF80]  }
0xb5: {  	v2 =	vld [tilespmem:s22+$0xFFFFFF10]  }
0xb6: {  	v3 =	vld [tilespmem:s22+$0xFFFFFF30]  }
0xb7: {  	v4 =	vld [tilespmem:s22+$0xFFFFFF60]  }
0xb8: {  	v5 =	vld [tilespmem:s22+$0xFFFFFF40]  }
0xb9: {  	v6 =	vld [tilespmem:s22+$0xFFFFFF50]  }
0xba: {  	v7 =	vld [tilespmem:s22+$0xFFFFFF20]  }
0xbb: {  	v0 =	vld.idx.msk [tilespmem:v0+s3+$0x0], $0xffff  }
0xbc: {  	v1 =	vld.idx.msk [tilespmem:v1+s3+$0x0], $0xffff  }
0xbd: {  	v2 =	vld.idx.msk [tilespmem:v2+s3+$0x0], $0xffff  }
0xbe: {  	v3 =	vld.idx.msk [tilespmem:v3+s3+$0x0], $0xffff  }
0xbf: {  	v4 =	vld.idx.msk [tilespmem:v4+s3+$0x0], $0xffff  }
0xc0: {  	v5 =	vld.idx.msk [tilespmem:v5+s3+$0x0], $0xffff  }
0xc1: {  	v6 =	vld.idx.msk [tilespmem:v6+s3+$0x0], $0xffff  }
0xc2: {  	v7 =	vld.idx.msk [tilespmem:v7+s3+$0x0], $0xffff  }
0xc3: {  	[tilespmem:s23+$0xFFFFFFF0] =	vst v1  }
0xc4: {  	[tilespmem:s23+$0xFFFFFF80] =	vst v2  }
0xc5: {  	[tilespmem:s23+$0xFFFFFFA0] =	vst v3  }
0xc6: {  	[tilespmem:s23+$0xFFFFFFD0] =	vst v4  }
0xc7: {  	[tilespmem:s23+$0xFFFFFFC0] =	vst v6  }
0xc8: {  	[tilespmem:s23+$0xFFFFFFB0] =	vst v5  }
0xc9: {  	[tilespmem:s23+$0xFFFFFF90] =	vst v7  }
0xca: {  	[tilespmem:s23+$0xFFFFFFE0] =	vst v0  }
0xcb: {  	v0 =	vld [tilespmem:s22+$0x0]  }
0xcc: {  	v6 =	vld [tilespmem:s22+$0xFFFFFFA0]  }
0xcd: {  	v7 =	vld [tilespmem:s22+$0xFFFFFFB0]  }
0xce: {  	v8 =	vld [tilespmem:s22+$0xFFFFFFF0]  }
0xcf: {  	v5 =	vld [tilespmem:s22+$0xFFFFFFD0]  }
0xd0: {  	v2 =	vld [tilespmem:s22+$0xFFFFFFE0]  }
0xd1: {  	v3 =	vld [tilespmem:s22+$0xFFFFFF90]  }
.Ltmp1:
0xd2: {  	v4 =	vld [tilespmem:s22+$0xFFFFFFC0];
	(pc) =	sbr.rel @p0 .LBB2_5-.Ltmp1, $4  }
0xd3: {  	v1 =	vld.idx.msk [tilespmem:v0+s3+$0x0], $0xffff  }
0xd4: {  	v0 =	vld.idx.msk [tilespmem:v6+s3+$0x0], $0xffff  }
0xd5: {  	v7 =	vld.idx.msk [tilespmem:v7+s3+$0x0], $0xffff  }
0xd6: {  	v6 =	vld.idx.msk [tilespmem:v8+s3+$0x0], $0xffff  }
0xd7: {  	_ =	sdelay $0x3  }
0xd8: {  	v5 =	vld.idx.msk [tilespmem:v5+s3+$0x0], $0xffff  }
0xd9: {  	v2 =	vld.idx.msk [tilespmem:v2+s3+$0x0], $0xffff  }
0xda: {  	v3 =	vld.idx.msk [tilespmem:v3+s3+$0x0], $0xffff  }
0xdb: {  	v4 =	vld.idx.msk [tilespmem:v4+s3+$0x0], $0xffff;
	[tilespmem:s24+$0x70] =	vst v1  }
0xdc: {  	[tilespmem:s24+$0x10] =	vst v0  }
0xdd: {  	[tilespmem:s24+$0x20] =	vst v7  }
0xde: {  	[tilespmem:s24+$0x60] =	vst v6  }
0xdf: {  	[tilespmem:s24+$0x50] =	vst v2  }
0xe0: {  	[tilespmem:s24+$0x0] =	vst v3  }
0xe1: {  	s22 =	sor.u32 $0x68000, s21;
	[tilespmem:s24+$0x40] =	vst v5  }
0xe2: {  	s22 =	sadd.s32 s6, s22;
	[tilespmem:s24+$0x30] =	vst v4  }
0xe3: {  	[hbm4b:s22+s10] =	stream.strided.scatter [tilespmem:s16], [sflag:$0x4], $0x1000, s14, s10, $0x38;
	[tilespmem:$0x1E700] =	vst v63  }
0xe4: {  	_ =	swait.ge [sflag:s17], $0x1000  }
0xe5: {  	[sflag:s17] =	ssyncset.done $0x0  }
0xe6: {  	s22 =	simm.s32 $0x1A7F0;
	[sflag:s17] =	ssyncadd.s32 $0xFFFFF000  }
0xe7: {  	v0 =	vld [tilespmem:s22+$0xFFFFFF70]  }
0xe8: {  	v1 =	vld [tilespmem:s22+$0xFFFFFF80]  }
0xe9: {  	v2 =	vld [tilespmem:s22+$0xFFFFFF10]  }
0xea: {  	v3 =	vld [tilespmem:s22+$0xFFFFFF30]  }
0xeb: {  	v4 =	vld [tilespmem:s22+$0xFFFFFF60]  }
0xec: {  	v5 =	vld [tilespmem:s22+$0xFFFFFF40]  }
0xed: {  	v6 =	vld [tilespmem:s22+$0xFFFFFF50]  }
0xee: {  	v7 =	vld [tilespmem:s22+$0xFFFFFF20]  }
0xef: {  	v0 =	vld.idx.msk [tilespmem:v0+s3+$0x0], $0xffff  }
0xf0: {  	v1 =	vld.idx.msk [tilespmem:v1+s3+$0x0], $0xffff  }
0xf1: {  	v2 =	vld.idx.msk [tilespmem:v2+s3+$0x0], $0xffff  }
0xf2: {  	v3 =	vld.idx.msk [tilespmem:v3+s3+$0x0], $0xffff  }
0xf3: {  	v4 =	vld.idx.msk [tilespmem:v4+s3+$0x0], $0xffff  }
0xf4: {  	v5 =	vld.idx.msk [tilespmem:v5+s3+$0x0], $0xffff  }
0xf5: {  	s23 =	simm.s32 $0x1C780;
	v6 =	vld.idx.msk [tilespmem:v6+s3+$0x0], $0xffff  }
0xf6: {  	v7 =	vld.idx.msk [tilespmem:v7+s3+$0x0], $0xffff;
	[tilespmem:s23+$0xFFFFFFF0] =	vst v1  }
0xf7: {  	[tilespmem:s23+$0xFFFFFF80] =	vst v2  }
0xf8: {  	[tilespmem:s23+$0xFFFFFFA0] =	vst v3  }
0xf9: {  	[tilespmem:s23+$0xFFFFFFD0] =	vst v4  }
0xfa: {  	[tilespmem:s23+$0xFFFFFFC0] =	vst v6  }
0xfb: {  	[tilespmem:s23+$0xFFFFFFB0] =	vst v5  }
0xfc: {  	[tilespmem:s23+$0xFFFFFF90] =	vst v7  }
0xfd: {  	[tilespmem:s23+$0xFFFFFFE0] =	vst v0  }
0xfe: {  	v0 =	vld [tilespmem:s22+$0x0]  }
0xff: {  	v6 =	vld [tilespmem:s22+$0xFFFFFFA0]  }
0x100: {  	v7 =	vld [tilespmem:s22+$0xFFFFFFB0]  }
0x101: {  	v8 =	vld [tilespmem:s22+$0xFFFFFFF0]  }
0x102: {  	v5 =	vld [tilespmem:s22+$0xFFFFFFD0]  }
0x103: {  	v2 =	vld [tilespmem:s22+$0xFFFFFFE0]  }
0x104: {  	v3 =	vld [tilespmem:s22+$0xFFFFFF90]  }
0x105: {  	v4 =	vld [tilespmem:s22+$0xFFFFFFC0]  }
0x106: {  	v1 =	vld.idx.msk [tilespmem:v0+s3+$0x0], $0xffff  }
0x107: {  	v0 =	vld.idx.msk [tilespmem:v6+s3+$0x0], $0xffff  }
0x108: {  	s31 =	sor.u32 $0xD0000, s21;
	v7 =	vld.idx.msk [tilespmem:v7+s3+$0x0], $0xffff  }
0x109: {  	s26 =	simm.s32 $0x0;
	s25 =	simm.s32 $0x1C780;
	s24 =	sadd.s32 s6, s31;
	v6 =	vld.idx.msk [tilespmem:v8+s3+$0x0], $0xffff  }
.LBB2_7:
0x10a: {  	s26 =	sadd.s32 $0x2, s26;
	v5 =	vld.idx.msk [tilespmem:v5+s3+$0x0], $0xffff;
	s23 =	sadd.s32 $0x100, s23;
	s22 =	sadd.s32 $0x100, s22  }
0x10b: {  	p0 =	slt.u32 s26, $0x1E;
	v2 =	vld.idx.msk [tilespmem:v2+s3+$0x0], $0xffff  }
0x10c: {  	v3 =	vld.idx.msk [tilespmem:v3+s3+$0x0], $0xffff  }
0x10d: {  	v4 =	vld.idx.msk [tilespmem:v4+s3+$0x0], $0xffff  }
0x10e: {  	[tilespmem:s25+$0x20] =	vst v7  }
0x10f: {  	[tilespmem:s25+$0x70] =	vst v1  }
0x110: {  	[tilespmem:s25+$0x60] =	vst v6  }
0x111: {  	[tilespmem:s25+$0x50] =	vst v2  }
0x112: {  	[tilespmem:s25+$0x0] =	vst v3  }
0x113: {  	[tilespmem:s25+$0x40] =	vst v5  }
0x114: {  	[tilespmem:s25+$0x30] =	vst v4  }
0x115: {  	[tilespmem:s25+$0x10] =	vst v0;
	s25 =	smov.u32 s23  }
0x116: {  	v0 =	vld [tilespmem:s22+$0xFFFFFF70]  }
0x117: {  	v1 =	vld [tilespmem:s22+$0xFFFFFF80]  }
0x118: {  	v2 =	vld [tilespmem:s22+$0xFFFFFF10]  }
0x119: {  	v3 =	vld [tilespmem:s22+$0xFFFFFF30]  }
0x11a: {  	v4 =	vld [tilespmem:s22+$0xFFFFFF60]  }
0x11b: {  	v5 =	vld [tilespmem:s22+$0xFFFFFF40]  }
0x11c: {  	v6 =	vld [tilespmem:s22+$0xFFFFFF50]  }
0x11d: {  	v7 =	vld [tilespmem:s22+$0xFFFFFF20]  }
0x11e: {  	v0 =	vld.idx.msk [tilespmem:v0+s3+$0x0], $0xffff  }
0x11f: {  	v1 =	vld.idx.msk [tilespmem:v1+s3+$0x0], $0xffff  }
0x120: {  	v2 =	vld.idx.msk [tilespmem:v2+s3+$0x0], $0xffff  }
0x121: {  	v3 =	vld.idx.msk [tilespmem:v3+s3+$0x0], $0xffff  }
0x122: {  	v4 =	vld.idx.msk [tilespmem:v4+s3+$0x0], $0xffff  }
0x123: {  	v5 =	vld.idx.msk [tilespmem:v5+s3+$0x0], $0xffff  }
0x124: {  	v6 =	vld.idx.msk [tilespmem:v6+s3+$0x0], $0xffff  }
0x125: {  	v7 =	vld.idx.msk [tilespmem:v7+s3+$0x0], $0xffff  }
0x126: {  	[tilespmem:s23+$0xFFFFFFF0] =	vst v1  }
0x127: {  	[tilespmem:s23+$0xFFFFFF80] =	vst v2  }
0x128: {  	[tilespmem:s23+$0xFFFFFFA0] =	vst v3  }
0x129: {  	[tilespmem:s23+$0xFFFFFFD0] =	vst v4  }
0x12a: {  	[tilespmem:s23+$0xFFFFFFC0] =	vst v6  }
0x12b: {  	[tilespmem:s23+$0xFFFFFFB0] =	vst v5  }
0x12c: {  	[tilespmem:s23+$0xFFFFFF90] =	vst v7  }
0x12d: {  	[tilespmem:s23+$0xFFFFFFE0] =	vst v0  }
0x12e: {  	v0 =	vld [tilespmem:s22+$0x0]  }
0x12f: {  	v6 =	vld [tilespmem:s22+$0xFFFFFFA0]  }
0x130: {  	v7 =	vld [tilespmem:s22+$0xFFFFFFB0]  }
0x131: {  	v8 =	vld [tilespmem:s22+$0xFFFFFFF0]  }
0x132: {  	v5 =	vld [tilespmem:s22+$0xFFFFFFD0]  }
0x133: {  	v2 =	vld [tilespmem:s22+$0xFFFFFFE0]  }
0x134: {  	v3 =	vld [tilespmem:s22+$0xFFFFFF90]  }
.Ltmp2:
0x135: {  	v4 =	vld [tilespmem:s22+$0xFFFFFFC0];
	(pc) =	sbr.rel @p0 .LBB2_7-.Ltmp2, $4  }
0x136: {  	v1 =	vld.idx.msk [tilespmem:v0+s3+$0x0], $0xffff  }
0x137: {  	v0 =	vld.idx.msk [tilespmem:v6+s3+$0x0], $0xffff  }
0x138: {  	v7 =	vld.idx.msk [tilespmem:v7+s3+$0x0], $0xffff  }
0x139: {  	v6 =	vld.idx.msk [tilespmem:v8+s3+$0x0], $0xffff  }
0x13a: {  	_ =	sdelay $0x3  }
0x13b: {  	v5 =	vld.idx.msk [tilespmem:v5+s3+$0x0], $0xffff  }
0x13c: {  	v2 =	vld.idx.msk [tilespmem:v2+s3+$0x0], $0xffff  }
0x13d: {  	v3 =	vld.idx.msk [tilespmem:v3+s3+$0x0], $0xffff  }
0x13e: {  	v4 =	vld.idx.msk [tilespmem:v4+s3+$0x0], $0xffff;
	[tilespmem:s25+$0x70] =	vst v1  }
0x13f: {  	[tilespmem:s25+$0x10] =	vst v0  }
0x140: {  	[tilespmem:s25+$0x20] =	vst v7  }
0x141: {  	[tilespmem:s25+$0x60] =	vst v6  }
0x142: {  	[tilespmem:s25+$0x50] =	vst v2  }
0x143: {  	[tilespmem:s25+$0x0] =	vst v3  }
0x144: {  	[tilespmem:s25+$0x40] =	vst v5  }
0x145: {  	[tilespmem:s25+$0x30] =	vst v4  }
0x146: {  	[hbm4b:s24+s10] =	stream.strided.scatter [tilespmem:s15], [sflag:$0x3], $0x1000, s14, s10, $0x38;
	[tilespmem:$0x1E700] =	vst v63  }
0x147: {  	_ =	swait.ge [sflag:s18], $0x1000  }
0x148: {  	[sflag:s18] =	ssyncset.done $0x0  }
0x149: {  	s22 =	simm.s32 $0x1B7F0;
	[sflag:s18] =	ssyncadd.s32 $0xFFFFF000  }
0x14a: {  	v0 =	vld [tilespmem:s22+$0xFFFFFF70]  }
0x14b: {  	v1 =	vld [tilespmem:s22+$0xFFFFFF80]  }
0x14c: {  	v2 =	vld [tilespmem:s22+$0xFFFFFF10]  }
0x14d: {  	v3 =	vld [tilespmem:s22+$0xFFFFFF30]  }
0x14e: {  	v4 =	vld [tilespmem:s22+$0xFFFFFF60]  }
0x14f: {  	v5 =	vld [tilespmem:s22+$0xFFFFFF40]  }
0x150: {  	v6 =	vld [tilespmem:s22+$0xFFFFFF50]  }
0x151: {  	v7 =	vld [tilespmem:s22+$0xFFFFFF20]  }
0x152: {  	v0 =	vld.idx.msk [tilespmem:v0+s3+$0x0], $0xffff  }
0x153: {  	v1 =	vld.idx.msk [tilespmem:v1+s3+$0x0], $0xffff  }
0x154: {  	v2 =	vld.idx.msk [tilespmem:v2+s3+$0x0], $0xffff  }
0x155: {  	v3 =	vld.idx.msk [tilespmem:v3+s3+$0x0], $0xffff  }
0x156: {  	v4 =	vld.idx.msk [tilespmem:v4+s3+$0x0], $0xffff  }
0x157: {  	v5 =	vld.idx.msk [tilespmem:v5+s3+$0x0], $0xffff  }
0x158: {  	s23 =	simm.s32 $0x1D780;
	v6 =	vld.idx.msk [tilespmem:v6+s3+$0x0], $0xffff  }
0x159: {  	v7 =	vld.idx.msk [tilespmem:v7+s3+$0x0], $0xffff;
	[tilespmem:s23+$0xFFFFFFF0] =	vst v1  }
0x15a: {  	[tilespmem:s23+$0xFFFFFF80] =	vst v2  }
0x15b: {  	[tilespmem:s23+$0xFFFFFFA0] =	vst v3  }
0x15c: {  	[tilespmem:s23+$0xFFFFFFD0] =	vst v4  }
0x15d: {  	[tilespmem:s23+$0xFFFFFFC0] =	vst v6  }
0x15e: {  	[tilespmem:s23+$0xFFFFFFB0] =	vst v5  }
0x15f: {  	[tilespmem:s23+$0xFFFFFF90] =	vst v7  }
0x160: {  	[tilespmem:s23+$0xFFFFFFE0] =	vst v0  }
0x161: {  	v0 =	vld [tilespmem:s22+$0x0]  }
0x162: {  	v6 =	vld [tilespmem:s22+$0xFFFFFFA0]  }
0x163: {  	v7 =	vld [tilespmem:s22+$0xFFFFFFB0]  }
0x164: {  	v8 =	vld [tilespmem:s22+$0xFFFFFFF0]  }
0x165: {  	v5 =	vld [tilespmem:s22+$0xFFFFFFD0]  }
0x166: {  	v2 =	vld [tilespmem:s22+$0xFFFFFFE0]  }
0x167: {  	v3 =	vld [tilespmem:s22+$0xFFFFFF90]  }
0x168: {  	v4 =	vld [tilespmem:s22+$0xFFFFFFC0]  }
0x169: {  	v1 =	vld.idx.msk [tilespmem:v0+s3+$0x0], $0xffff  }
0x16a: {  	v0 =	vld.idx.msk [tilespmem:v6+s3+$0x0], $0xffff  }
0x16b: {  	s21 =	sor.u32 $0x138000, s21;
	v7 =	vld.idx.msk [tilespmem:v7+s3+$0x0], $0xffff  }
0x16c: {  	s21 =	sadd.s32 s6, s21;
	s25 =	simm.s32 $0x0;
	s24 =	simm.s32 $0x1D780;
	v6 =	vld.idx.msk [tilespmem:v8+s3+$0x0], $0xffff  }
.LBB2_9:
0x16d: {  	s25 =	sadd.s32 $0x2, s25;
	v5 =	vld.idx.msk [tilespmem:v5+s3+$0x0], $0xffff;
	s23 =	sadd.s32 $0x100, s23;
	s22 =	sadd.s32 $0x100, s22  }
0x16e: {  	p0 =	slt.u32 s25, $0x1E;
	v2 =	vld.idx.msk [tilespmem:v2+s3+$0x0], $0xffff  }
0x16f: {  	v3 =	vld.idx.msk [tilespmem:v3+s3+$0x0], $0xffff  }
0x170: {  	v4 =	vld.idx.msk [tilespmem:v4+s3+$0x0], $0xffff  }
0x171: {  	[tilespmem:s24+$0x20] =	vst v7  }
0x172: {  	[tilespmem:s24+$0x70] =	vst v1  }
0x173: {  	[tilespmem:s24+$0x60] =	vst v6  }
0x174: {  	[tilespmem:s24+$0x50] =	vst v2  }
0x175: {  	[tilespmem:s24+$0x0] =	vst v3  }
0x176: {  	[tilespmem:s24+$0x40] =	vst v5  }
0x177: {  	[tilespmem:s24+$0x30] =	vst v4  }
0x178: {  	[tilespmem:s24+$0x10] =	vst v0;
	s24 =	smov.u32 s23  }
0x179: {  	v0 =	vld [tilespmem:s22+$0xFFFFFF70]  }
0x17a: {  	v1 =	vld [tilespmem:s22+$0xFFFFFF80]  }
0x17b: {  	v2 =	vld [tilespmem:s22+$0xFFFFFF10]  }
0x17c: {  	v3 =	vld [tilespmem:s22+$0xFFFFFF30]  }
0x17d: {  	v4 =	vld [tilespmem:s22+$0xFFFFFF60]  }
0x17e: {  	v5 =	vld [tilespmem:s22+$0xFFFFFF40]  }
0x17f: {  	v6 =	vld [tilespmem:s22+$0xFFFFFF50]  }
0x180: {  	v7 =	vld [tilespmem:s22+$0xFFFFFF20]  }
0x181: {  	v0 =	vld.idx.msk [tilespmem:v0+s3+$0x0], $0xffff  }
0x182: {  	v1 =	vld.idx.msk [tilespmem:v1+s3+$0x0], $0xffff  }
0x183: {  	v2 =	vld.idx.msk [tilespmem:v2+s3+$0x0], $0xffff  }
0x184: {  	v3 =	vld.idx.msk [tilespmem:v3+s3+$0x0], $0xffff  }
0x185: {  	v4 =	vld.idx.msk [tilespmem:v4+s3+$0x0], $0xffff  }
0x186: {  	v5 =	vld.idx.msk [tilespmem:v5+s3+$0x0], $0xffff  }
0x187: {  	v6 =	vld.idx.msk [tilespmem:v6+s3+$0x0], $0xffff  }
0x188: {  	v7 =	vld.idx.msk [tilespmem:v7+s3+$0x0], $0xffff  }
0x189: {  	[tilespmem:s23+$0xFFFFFFF0] =	vst v1  }
0x18a: {  	[tilespmem:s23+$0xFFFFFF80] =	vst v2  }
0x18b: {  	[tilespmem:s23+$0xFFFFFFA0] =	vst v3  }
0x18c: {  	[tilespmem:s23+$0xFFFFFFD0] =	vst v4  }
0x18d: {  	[tilespmem:s23+$0xFFFFFFC0] =	vst v6  }
0x18e: {  	[tilespmem:s23+$0xFFFFFFB0] =	vst v5  }
0x18f: {  	[tilespmem:s23+$0xFFFFFF90] =	vst v7  }
0x190: {  	[tilespmem:s23+$0xFFFFFFE0] =	vst v0  }
0x191: {  	v0 =	vld [tilespmem:s22+$0x0]  }
0x192: {  	v6 =	vld [tilespmem:s22+$0xFFFFFFA0]  }
0x193: {  	v7 =	vld [tilespmem:s22+$0xFFFFFFB0]  }
0x194: {  	v8 =	vld [tilespmem:s22+$0xFFFFFFF0]  }
0x195: {  	v5 =	vld [tilespmem:s22+$0xFFFFFFD0]  }
0x196: {  	v2 =	vld [tilespmem:s22+$0xFFFFFFE0]  }
0x197: {  	v3 =	vld [tilespmem:s22+$0xFFFFFF90]  }
.Ltmp3:
0x198: {  	v4 =	vld [tilespmem:s22+$0xFFFFFFC0];
	(pc) =	sbr.rel @p0 .LBB2_9-.Ltmp3, $4  }
0x199: {  	v1 =	vld.idx.msk [tilespmem:v0+s3+$0x0], $0xffff  }
0x19a: {  	v0 =	vld.idx.msk [tilespmem:v6+s3+$0x0], $0xffff  }
0x19b: {  	v7 =	vld.idx.msk [tilespmem:v7+s3+$0x0], $0xffff  }
0x19c: {  	v6 =	vld.idx.msk [tilespmem:v8+s3+$0x0], $0xffff  }
0x19d: {  	_ =	sdelay $0x3  }
0x19e: {  	v5 =	vld.idx.msk [tilespmem:v5+s3+$0x0], $0xffff  }
0x19f: {  	v2 =	vld.idx.msk [tilespmem:v2+s3+$0x0], $0xffff  }
0x1a0: {  	v3 =	vld.idx.msk [tilespmem:v3+s3+$0x0], $0xffff  }
0x1a1: {  	v4 =	vld.idx.msk [tilespmem:v4+s3+$0x0], $0xffff;
	[tilespmem:s24+$0x70] =	vst v1  }
0x1a2: {  	[tilespmem:s24+$0x10] =	vst v0  }
0x1a3: {  	s20 =	sadd.s32 $0x1, s20;
	[tilespmem:s24+$0x20] =	vst v7  }
0x1a4: {  	p0 =	sne.s32 s20, $0x1A;
	[tilespmem:s24+$0x60] =	vst v6  }
.Ltmp4:
0x1a5: {  	[tilespmem:s24+$0x50] =	vst v2;
	(pc) =	sbr.rel @p0 .LBB2_2-.Ltmp4, $4  }
0x1a6: {  	[tilespmem:s24+$0x0] =	vst v3  }
0x1a7: {  	[tilespmem:s24+$0x40] =	vst v5  }
0x1a8: {  	[tilespmem:s24+$0x30] =	vst v4  }
0x1a9: {  	[hbm4b:s21+s10] =	stream.strided.scatter [tilespmem:s16], [sflag:$0x4], $0x1000, s14, s10, $0x38;
	[tilespmem:$0x1E700] =	vst v63  }
0x1aa: {  	s19 =	sadd.s32 $0x1, s19  }
0x1ab: {  	_ =	swait.ge [sflag:s17], $0x1000;
	p0 =	sne.s32 s19, s8  }
.Ltmp5:
0x1ac: {  	[sflag:s17] =	ssyncset.done $0x0;
	(pc) =	sbr.rel @p0 .LBB2_1-.Ltmp5, $4  }
0x1ad: {  	[sflag:s17] =	ssyncadd.s32 $0xFFFFF000  }
0x1ae: {  	_ =	swait.ge [sflag:s18], $0x1000  }
0x1af: {  	[sflag:s18] =	ssyncset.done $0x0  }
0x1b0: {  	[sflag:s18] =	ssyncadd.s32 $0xFFFFF000  }
0x1b1: {  	_ =	sfence.sel $0x180000  }
0x1b2: {  	[bflag:$0x0] =	sbarrier.arrive $0xFFFF  }
0x1b3: {  	p0 =	sne.s32 s2, $0x0;
	_ =	strace $0x90000047  }
0x1b4: {  	s0 =	sadd.s32 @!p0 $0x100000, s0;
	[bflag:$0x2] =	sbarrier.arrive $0xFFFF  }
0x1b5: {  	[sflag:s0] =	ssyncadd.tile.s32 @!p0 $0x1;
	_ =	shalt  }
.Lfunc_end2:
_tile_overlayer_lowered:
.L_overlay_start_2:
0x1b6: {  	(tag) =	ssettag $0x2  }
0x1b7: {  	s0 =	rddreg [dreg:$0x0];
	s2 =	stileid.u32  }
0x1b8: {  	s1 =	rddreg [dreg:$0x1];
	p0 =	sne.s32 s2, $0x0  }
0x1b9: {  	s3 =	rddreg [dreg:$0x2];
	[bflag:$0x3] =	sbarrier.arrive $0xFFFF;
	s2 =	simm.s32 @!p0 $0x1C05  }
0x1ba: {  	[timem:s3], [sflag:s2] =	dma.local @!p0 [hbm:s0], s1  }
0x1bb: {  	s0 =	simm.s32 @!p0 $0x5  }
0x1bc: {  	_ =	swait.ge @!p0 [sflag:s0], s1  }
0x1bd: {  	s1 =	ssub.s32 @!p0 $0x0, s1;
	[sflag:s0] =	ssyncset.done @!p0 $0x0  }
0x1be: {  	[sflag:s0] =	ssyncadd.s32 @!p0 s1  }
0x1bf: {  	[bflag:$0x3] =	sbarrier.arrive $0xFFFF  }
0x1c0: {  	_ =	shalt  }

</sc_bundles>
